<compile_context>
chip_gen: v7x
topology: tpu7x:2x2x1
jax: 0.10.2.dev20260603
libtpu: 0.0.44.dev20260713+nightly
codegen_flags: <defaults>
</compile_context>

<pallas_src>
import jax
import jax.numpy as jnp
from jax import lax
from jax.experimental import pallas as pl
from jax.experimental.pallas import tpu as pltpu
from jax.experimental.pallas import tpu_sc as plsc

N = 65536
S = 1024
NT = 16
CHUNK = N // NT
L = 16
NV = CHUNK // L
NEG_INF = float("-inf")
POS_INF = float("inf")
INT_MAX = 2147483647


def _fps_body(xs_hbm, ys_hbm, zs_hbm, out_hbm,
              x_v, y_v, z_v, d_v, rec_v, all_v, samp_v, shared):
    tid = lax.axis_index("s")
    base = tid * CHUNK
    lane = lax.broadcasted_iota(jnp.int32, (L,), 0)

    pltpu.sync_copy(xs_hbm.at[pl.ds(base, CHUNK)], x_v)
    pltpu.sync_copy(ys_hbm.at[pl.ds(base, CHUNK)], y_v)
    pltpu.sync_copy(zs_hbm.at[pl.ds(base, CHUNK)], z_v)

    def init_body(j, carry):
        d_v[pl.ds(j * L, L)] = jnp.full((L,), POS_INF, jnp.float32)
        return carry

    lax.fori_loop(0, NV, init_body, 0)

    def exchange(slot, lmax, gidx, wx, wy, wz):
        gf = lax.bitcast_convert_type(gidx, jnp.float32)
        rec = jnp.where(lane == 0, lmax,
              jnp.where(lane == 1, gf,
              jnp.where(lane == 2, wx,
              jnp.where(lane == 3, wy,
              jnp.where(lane == 4, wz, jnp.float32(0.0))))))
        rec_v[...] = rec
        pltpu.sync_copy(rec_v, shared.at[pl.ds((slot * NT + tid) * L, L)])
        plsc.subcore_barrier()
        pltpu.sync_copy(shared.at[pl.ds(slot * (NT * L), NT * L)], all_v)
        rowl = lane * L
        maxds = plsc.load_gather(all_v, [rowl])
        gidxs = plsc.bitcast(plsc.load_gather(all_v, [rowl + 1]), jnp.int32)
        gmax = jnp.max(maxds)
        cand = jnp.where(maxds == gmax, gidxs, INT_MAX)
        win = jnp.min(cand)
        crow = (win >> 12) * L
        cx = plsc.load_gather(all_v, [jnp.full((L,), crow + 2, jnp.int32)])[0]
        cy = plsc.load_gather(all_v, [jnp.full((L,), crow + 3, jnp.int32)])[0]
        cz = plsc.load_gather(all_v, [jnp.full((L,), crow + 4, jnp.int32)])[0]
        return win, cx, cy, cz

    def read_at(ref, idx):
        return plsc.load_gather(ref, [jnp.full((L,), idx, jnp.int32)])[0]

    def record_sample(i, win):
        plsc.store_scatter(samp_v, [jnp.full((L,), i, jnp.int32)],
                           jnp.full((L,), win, jnp.int32),
                           mask=lane == 0)

    m0 = jnp.where(tid == 0, jnp.float32(POS_INF), jnp.float32(NEG_INF))
    _, cx, cy, cz = exchange(0, m0, jnp.int32(0),
                             read_at(x_v, 0), read_at(y_v, 0), read_at(z_v, 0))
    record_sample(jnp.int32(0), jnp.int32(0))

    def iter_body(i, carry):
        cx, cy, cz = carry

        U = 8

        def scan_body(t, mc):
            ms, mis = mc
            ms, mis = list(ms), list(mis)
            for k in range(U):
                j = t * U + k
                sl = pl.ds(j * L, L)
                dx = x_v[sl] - cx
                dy = y_v[sl] - cy
                dz = z_v[sl] - cz
                d = dx * dx + dy * dy + dz * dz
                nd = jnp.minimum(d_v[sl], d)
                d_v[sl] = nd
                p = nd > ms[k]
                ms[k] = jnp.where(p, nd, ms[k])
                mis[k] = jnp.where(p, j, mis[k])
            return (tuple(ms), tuple(mis))

        carry0 = (
            tuple(jnp.full((L,), NEG_INF, jnp.float32) for _ in range(U)),
            tuple(jnp.zeros((L,), jnp.int32) for _ in range(U)))
        ms, mis = plsc.parallel_loop(0, NV // U, carry=carry0)(scan_body)

        pairs = [(ms[k], mis[k] * L + lane) for k in range(U)]
        while len(pairs) > 1:
            nxt = []
            for a in range(0, len(pairs), 2):
                (ma, ia), (mb, ib) = pairs[a], pairs[a + 1]
                better_b = (mb > ma) | ((mb == ma) & (ib < ia))
                nxt.append((jnp.where(better_b, mb, ma),
                            jnp.where(better_b, ib, ia)))
            pairs = nxt
        m, li = pairs[0]

        lmax = jnp.max(m)
        cand_l = jnp.where(m == lmax, li, INT_MAX)
        lidx = jnp.min(cand_l)
        win, ncx, ncy, ncz = exchange(
            i & 1, lmax, base + lidx,
            read_at(x_v, lidx), read_at(y_v, lidx), read_at(z_v, lidx))
        record_sample(i, win)
        return (ncx, ncy, ncz)

    lax.fori_loop(1, S, iter_body, (cx, cy, cz))

    @pl.when(tid == 0)
    def _():
        pltpu.sync_copy(samp_v, out_hbm)


@jax.jit
def kernel(pos, feats):
    del feats
    xs = jnp.asarray(pos[:, 0])
    ys = jnp.asarray(pos[:, 1])
    zs = jnp.asarray(pos[:, 2])
    mesh = plsc.VectorSubcoreMesh(
        core_axis_name="c", subcore_axis_name="s",
        num_cores=1, num_subcores=NT)
    fps = pl.kernel(
        _fps_body,
        out_type=jax.ShapeDtypeStruct((S,), jnp.int32),
        mesh=mesh,
        compiler_params=pltpu.CompilerParams(needs_layout_passes=False),
        scratch_types=[
            pltpu.VMEM((CHUNK,), jnp.float32),
            pltpu.VMEM((CHUNK,), jnp.float32),
            pltpu.VMEM((CHUNK,), jnp.float32),
            pltpu.VMEM((CHUNK,), jnp.float32),
            pltpu.VMEM((L,), jnp.float32),
            pltpu.VMEM((NT * L,), jnp.float32),
            pltpu.VMEM((S,), jnp.int32),
            pltpu.VMEM_SHARED((2 * NT * L,), jnp.float32),
        ],
    )
    return fps(xs, ys, zs)

# --- scband reference (transcript-rebuilt; emitter-appended) ---
"""Pipeline reference for scband-encode-layer-72035191488655 (READ-ONLY COPY).

The authoritative reference and input builder live on the scoring server;
editing this copy changes nothing except your own understanding.
"""

import jax, jax.numpy as jnp
import numpy as np

RATIO = 0.015625

def fps(pos, n_samples):
    # Farthest point sampling, deterministic start at index 0
    N = pos.shape[0]
    dists0 = jnp.full((N,), jnp.inf, dtype=pos.dtype)
    idxs0 = jnp.zeros((n_samples,), dtype=jnp.int32)

    def body(i, state):
        dists, idxs = state
        last = pos[idxs[i - 1]]
        d = jnp.sum((pos - last) ** 2, axis=-1)
        dists = jnp.minimum(dists, d)
        nxt = jnp.argmax(dists).astype(jnp.int32)
        idxs = idxs.at[i].set(nxt)
        return (dists, idxs)

    _, idxs = jax.lax.fori_loop(1, n_samples, body, (dists0, idxs0))
    return idxs


def setup_inputs(seed: int = 0) -> dict:
    key = jax.random.key(seed)
    k1, k2 = jax.random.split(key)
    pos = jax.random.normal(k1, (65536, 3), dtype=jnp.float32)
    feats = jax.random.normal(k2, (65536, 128), dtype=jnp.float32)
    return {"pos": pos, "feats": feats}


def reference(pos, feats):
    n_samples = int(pos.shape[0] * RATIO)
    samples = fps(pos, n_samples)
    return samples

if __name__ == "__main__":
    import jax
    _d = setup_inputs()
    print(jax.jit(kernel)(*tuple(_d.values())))

</pallas_src>

<mosaic_0001>
#map = affine_map<(d0, d1) -> (0)>
module attributes {stable_mosaic.version = 14 : i64} {
  func.func @_fps_body(%arg0: i32, %arg1: i32, %arg2: memref<65536xf32, #tpu.memory_space<hbm>>, %arg3: memref<65536xf32, #tpu.memory_space<hbm>>, %arg4: memref<65536xf32, #tpu.memory_space<hbm>>, %arg5: memref<1024xi32, #tpu.memory_space<hbm>>, %arg6: memref<4096xf32, #tpu.memory_space<vmem>>, %arg7: memref<4096xf32, #tpu.memory_space<vmem>>, %arg8: memref<4096xf32, #tpu.memory_space<vmem>>, %arg9: memref<4096xf32, #tpu.memory_space<vmem>>, %arg10: memref<16xf32, #tpu.memory_space<vmem>>, %arg11: memref<256xf32, #tpu.memory_space<vmem>>, %arg12: memref<1024xi32, #tpu.memory_space<vmem>>, %arg13: memref<512xf32, #tpu.memory_space<vmem_shared>>) attributes {dimension_semantics = [#tpu.dimension_semantics<core_parallel>, #tpu.dimension_semantics<subcore_parallel>], iteration_bounds = array<i64: 1, 16>, scalar_prefetch = 0 : i64, scratch_operands = 8 : i64, tpu.core_type = #tpu.core_type<sc_vector_subcore>, window_params = [{transform_indices = #map}, {transform_indices = #map}, {transform_indices = #map}, {transform_indices = #map}]} {
    %mul3A = arith.constant 4096 : i32
    %mul3A_0 = arith.muli %arg1, %mul3A : i32
    %iota3A = tpu.iota {dimensions = array<i32: 0>} : vector<16xi32>
    "tpu.region"() ({
      %run_scoped3A = tpu.sem_alloc : memref<!tpu.dma_semaphore, #tpu.memory_space<semaphore_mem>>
      %dma_start3A = tpu.memref_slice %arg2[%mul3A_0] : memref<65536xf32, #tpu.memory_space<hbm>> -> memref<4096xf32, #tpu.memory_space<hbm>>
      %dma_start3A_111 = tpu.memref_slice %arg2[%mul3A_0] : memref<65536xf32, #tpu.memory_space<hbm>> -> memref<4096xf32, #tpu.memory_space<hbm>>
      tpu.enqueue_dma source(%dma_start3A_111 : memref<4096xf32, #tpu.memory_space<hbm>>) target(%arg6 : memref<4096xf32, #tpu.memory_space<vmem>>) target_semaphore(%run_scoped3A : memref<!tpu.dma_semaphore, #tpu.memory_space<semaphore_mem>>)
      %dma_wait3A = tpu.memref_slice %arg2[%mul3A_0] : memref<65536xf32, #tpu.memory_space<hbm>> -> memref<4096xf32, #tpu.memory_space<hbm>>
      %dma_wait3A_112 = tpu.memref_slice %arg2[%mul3A_0] : memref<65536xf32, #tpu.memory_space<hbm>> -> memref<4096xf32, #tpu.memory_space<hbm>>
      tpu.wait_dma2 semaphore(%run_scoped3A : memref<!tpu.dma_semaphore, #tpu.memory_space<semaphore_mem>>) src(%dma_wait3A_112 : memref<4096xf32, #tpu.memory_space<hbm>>) dst(%arg6 : memref<4096xf32, #tpu.memory_space<vmem>>)
      tpu.yield
    }) : () -> ()
    "tpu.region"() ({
      %run_scoped3A = tpu.sem_alloc : memref<!tpu.dma_semaphore, #tpu.memory_space<semaphore_mem>>
      %dma_start3A = tpu.memref_slice %arg3[%mul3A_0] : memref<65536xf32, #tpu.memory_space<hbm>> -> memref<4096xf32, #tpu.memory_space<hbm>>
      %dma_start3A_111 = tpu.memref_slice %arg3[%mul3A_0] : memref<65536xf32, #tpu.memory_space<hbm>> -> memref<4096xf32, #tpu.memory_space<hbm>>
      tpu.enqueue_dma source(%dma_start3A_111 : memref<4096xf32, #tpu.memory_space<hbm>>) target(%arg7 : memref<4096xf32, #tpu.memory_space<vmem>>) target_semaphore(%run_scoped3A : memref<!tpu.dma_semaphore, #tpu.memory_space<semaphore_mem>>)
      %dma_wait3A = tpu.memref_slice %arg3[%mul3A_0] : memref<65536xf32, #tpu.memory_space<hbm>> -> memref<4096xf32, #tpu.memory_space<hbm>>
      %dma_wait3A_112 = tpu.memref_slice %arg3[%mul3A_0] : memref<65536xf32, #tpu.memory_space<hbm>> -> memref<4096xf32, #tpu.memory_space<hbm>>
      tpu.wait_dma2 semaphore(%run_scoped3A : memref<!tpu.dma_semaphore, #tpu.memory_space<semaphore_mem>>) src(%dma_wait3A_112 : memref<4096xf32, #tpu.memory_space<hbm>>) dst(%arg7 : memref<4096xf32, #tpu.memory_space<vmem>>)
      tpu.yield
    }) : () -> ()
    "tpu.region"() ({
      %run_scoped3A = tpu.sem_alloc : memref<!tpu.dma_semaphore, #tpu.memory_space<semaphore_mem>>
      %dma_start3A = tpu.memref_slice %arg4[%mul3A_0] : memref<65536xf32, #tpu.memory_space<hbm>> -> memref<4096xf32, #tpu.memory_space<hbm>>
      %dma_start3A_111 = tpu.memref_slice %arg4[%mul3A_0] : memref<65536xf32, #tpu.memory_space<hbm>> -> memref<4096xf32, #tpu.memory_space<hbm>>
      tpu.enqueue_dma source(%dma_start3A_111 : memref<4096xf32, #tpu.memory_space<hbm>>) target(%arg8 : memref<4096xf32, #tpu.memory_space<vmem>>) target_semaphore(%run_scoped3A : memref<!tpu.dma_semaphore, #tpu.memory_space<semaphore_mem>>)
      %dma_wait3A = tpu.memref_slice %arg4[%mul3A_0] : memref<65536xf32, #tpu.memory_space<hbm>> -> memref<4096xf32, #tpu.memory_space<hbm>>
      %dma_wait3A_112 = tpu.memref_slice %arg4[%mul3A_0] : memref<65536xf32, #tpu.memory_space<hbm>> -> memref<4096xf32, #tpu.memory_space<hbm>>
      tpu.wait_dma2 semaphore(%run_scoped3A : memref<!tpu.dma_semaphore, #tpu.memory_space<semaphore_mem>>) src(%dma_wait3A_112 : memref<4096xf32, #tpu.memory_space<hbm>>) dst(%arg8 : memref<4096xf32, #tpu.memory_space<vmem>>)
      tpu.yield
    }) : () -> ()
    %scan3A = arith.constant 0 : i32
    %scan3A_1 = arith.constant 0 : i32
    %scan3A_2 = arith.constant 256 : i32
    %scan3A_3 = arith.addi %scan3A_1, %scan3A_2 : i32
    %scan3A_4 = arith.constant 1 : i32
    scf.for %scan3A_111 = %scan3A_1 to %scan3A_3 step %scan3A_4  : i32 {
      %broadcast_in_dim3A_112 = arith.constant 0x7F800000 : f32
      %broadcast_in_dim3A_113 = vector.broadcast %broadcast_in_dim3A_112 : f32 to vector<16xf32>
      %mul3A_114 = arith.constant 16 : i32
      %mul3A_115 = arith.muli %scan3A_111, %mul3A_114 : i32
      %swap3A_116 = arith.index_cast %mul3A_115 : i32 to index
      %swap3A_117 = tpu.vector_load %arg9[%swap3A_116] {strides = array<i32>} : memref<4096xf32, #tpu.memory_space<vmem>>, vector<16xf32>,
      tpu.vector_store %arg9[%swap3A_116], %broadcast_in_dim3A_113 {strides = array<i32>} : memref<4096xf32, #tpu.memory_space<vmem>>, vector<16xf32>,
    }
    %scan3A_5 = arith.constant 256 : i32
    %eq3A = arith.constant 0 : i32
    %eq3A_6 = arith.cmpi eq, %arg1, %eq3A : i32
    %jit3A = arith.constant 0x7F800000 : f32
    %jit3A_7 = arith.constant 0xFF800000 : f32
    %select_n3A = arith.select %eq3A_6, %jit3A, %jit3A_7 : f32
    %broadcast_in_dim3A = arith.constant 0 : i32
    %broadcast_in_dim3A_8 = vector.broadcast %broadcast_in_dim3A : i32 to vector<16xi32>
    %gather3A = tpu.vector_load_idx %arg6[%broadcast_in_dim3A_8] : memref<4096xf32, #tpu.memory_space<vmem>>[vector<16xi32>], vector<16xf32>,
    %slice3A = vector.extract_strided_slice %gather3A {offsets = [0], sizes = [1], strides = [1]} : vector<16xf32> to vector<1xf32>
    %squeeze3A = vector.extract %slice3A[0] : f32 from vector<1xf32>
    %broadcast_in_dim3A_9 = arith.constant 0 : i32
    %broadcast_in_dim3A_10 = vector.broadcast %broadcast_in_dim3A_9 : i32 to vector<16xi32>
    %gather3A_11 = tpu.vector_load_idx %arg7[%broadcast_in_dim3A_10] : memref<4096xf32, #tpu.memory_space<vmem>>[vector<16xi32>], vector<16xf32>,
    %slice3A_12 = vector.extract_strided_slice %gather3A_11 {offsets = [0], sizes = [1], strides = [1]} : vector<16xf32> to vector<1xf32>
    %squeeze3A_13 = vector.extract %slice3A_12[0] : f32 from vector<1xf32>
    %broadcast_in_dim3A_14 = arith.constant 0 : i32
    %broadcast_in_dim3A_15 = vector.broadcast %broadcast_in_dim3A_14 : i32 to vector<16xi32>
    %gather3A_16 = tpu.vector_load_idx %arg8[%broadcast_in_dim3A_15] : memref<4096xf32, #tpu.memory_space<vmem>>[vector<16xi32>], vector<16xf32>,
    %slice3A_17 = vector.extract_strided_slice %gather3A_16 {offsets = [0], sizes = [1], strides = [1]} : vector<16xf32> to vector<1xf32>
    %squeeze3A_18 = vector.extract %slice3A_17[0] : f32 from vector<1xf32>
    %bitcast_convert_type3A = arith.constant 0 : i32
    %bitcast_convert_type3A_19 = arith.bitcast %bitcast_convert_type3A : i32 to f32
    %eq3A_20 = arith.constant 0 : i32
    %eq3A_21 = vector.broadcast %eq3A_20 : i32 to vector<16xi32>
    %eq3A_22 = arith.cmpi eq, %iota3A, %eq3A_21 : vector<16xi32>
    %eq3A_23 = arith.constant 1 : i32
    %eq3A_24 = vector.broadcast %eq3A_23 : i32 to vector<16xi32>
    %eq3A_25 = arith.cmpi eq, %iota3A, %eq3A_24 : vector<16xi32>
    %eq3A_26 = arith.constant 2 : i32
    %eq3A_27 = vector.broadcast %eq3A_26 : i32 to vector<16xi32>
    %eq3A_28 = arith.cmpi eq, %iota3A, %eq3A_27 : vector<16xi32>
    %eq3A_29 = arith.constant 3 : i32
    %eq3A_30 = vector.broadcast %eq3A_29 : i32 to vector<16xi32>
    %eq3A_31 = arith.cmpi eq, %iota3A, %eq3A_30 : vector<16xi32>
    %eq3A_32 = arith.constant 4 : i32
    %eq3A_33 = vector.broadcast %eq3A_32 : i32 to vector<16xi32>
    %eq3A_34 = arith.cmpi eq, %iota3A, %eq3A_33 : vector<16xi32>
    %jit3A_35 = arith.constant 0.000000e+00 : f32
    %broadcast_in_dim3A_36 = vector.broadcast %squeeze3A_18 : f32 to vector<16xf32>
    %broadcast_in_dim3A_37 = vector.broadcast %jit3A_35 : f32 to vector<16xf32>
    %select_n3A_38 = arith.select %eq3A_34, %broadcast_in_dim3A_36, %broadcast_in_dim3A_37 : vector<16xi1>, vector<16xf32>
    %broadcast_in_dim3A_39 = vector.broadcast %squeeze3A_13 : f32 to vector<16xf32>
    %select_n3A_40 = arith.select %eq3A_31, %broadcast_in_dim3A_39, %select_n3A_38 : vector<16xi1>, vector<16xf32>
    %broadcast_in_dim3A_41 = vector.broadcast %squeeze3A : f32 to vector<16xf32>
    %select_n3A_42 = arith.select %eq3A_28, %broadcast_in_dim3A_41, %select_n3A_40 : vector<16xi1>, vector<16xf32>
    %broadcast_in_dim3A_43 = vector.broadcast %bitcast_convert_type3A_19 : f32 to vector<16xf32>
    %select_n3A_44 = arith.select %eq3A_25, %broadcast_in_dim3A_43, %select_n3A_42 : vector<16xi1>, vector<16xf32>
    %broadcast_in_dim3A_45 = vector.broadcast %select_n3A : f32 to vector<16xf32>
    %select_n3A_46 = arith.select %eq3A_22, %broadcast_in_dim3A_45, %select_n3A_44 : vector<16xi1>, vector<16xf32>
    %swap3A = arith.constant 0 : index
    %swap3A_47 = tpu.vector_load %arg10[%swap3A] {strides = array<i32>} : memref<16xf32, #tpu.memory_space<vmem>>, vector<16xf32>,
    tpu.vector_store %arg10[%swap3A], %select_n3A_46 {strides = array<i32>} : memref<16xf32, #tpu.memory_space<vmem>>, vector<16xf32>,
    %add3A = arith.constant 0 : i32
    %add3A_48 = arith.addi %add3A, %arg1 : i32
    %mul3A_49 = arith.constant 16 : i32
    %mul3A_50 = arith.muli %add3A_48, %mul3A_49 : i32
    "tpu.region"() ({
      %run_scoped3A = tpu.sem_alloc : memref<!tpu.dma_semaphore, #tpu.memory_space<semaphore_mem>>
      %dma_start3A = tpu.memref_slice %arg13[%mul3A_50] : memref<512xf32, #tpu.memory_space<vmem_shared>> -> memref<16xf32, #tpu.memory_space<vmem_shared>>
      %dma_start3A_111 = tpu.memref_slice %arg13[%mul3A_50] : memref<512xf32, #tpu.memory_space<vmem_shared>> -> memref<16xf32, #tpu.memory_space<vmem_shared>>
      tpu.enqueue_dma source(%arg10 : memref<16xf32, #tpu.memory_space<vmem>>) target(%dma_start3A_111 : memref<16xf32, #tpu.memory_space<vmem_shared>>) target_semaphore(%run_scoped3A : memref<!tpu.dma_semaphore, #tpu.memory_space<semaphore_mem>>)
      %dma_wait3A = tpu.memref_slice %arg13[%mul3A_50] : memref<512xf32, #tpu.memory_space<vmem_shared>> -> memref<16xf32, #tpu.memory_space<vmem_shared>>
      %dma_wait3A_112 = tpu.memref_slice %arg13[%mul3A_50] : memref<512xf32, #tpu.memory_space<vmem_shared>> -> memref<16xf32, #tpu.memory_space<vmem_shared>>
      tpu.wait_dma2 semaphore(%run_scoped3A : memref<!tpu.dma_semaphore, #tpu.memory_space<semaphore_mem>>) src(%arg10 : memref<16xf32, #tpu.memory_space<vmem>>) dst(%dma_wait3A_112 : memref<16xf32, #tpu.memory_space<vmem_shared>>)
      tpu.yield
    }) : () -> ()
    %barrier3A = arith.constant 0 : index
    tpu.barrier barrier_id(%barrier3A)
    "tpu.region"() ({
      %run_scoped3A = tpu.sem_alloc : memref<!tpu.dma_semaphore, #tpu.memory_space<semaphore_mem>>
      %dma_start3A = arith.constant 0 : i32
      %dma_start3A_111 = tpu.memref_slice %arg13[%dma_start3A] : memref<512xf32, #tpu.memory_space<vmem_shared>> -> memref<256xf32, #tpu.memory_space<vmem_shared>>
      %dma_start3A_112 = arith.constant 0 : i32
      %dma_start3A_113 = tpu.memref_slice %arg13[%dma_start3A_112] : memref<512xf32, #tpu.memory_space<vmem_shared>> -> memref<256xf32, #tpu.memory_space<vmem_shared>>
      tpu.enqueue_dma source(%dma_start3A_113 : memref<256xf32, #tpu.memory_space<vmem_shared>>) target(%arg11 : memref<256xf32, #tpu.memory_space<vmem>>) target_semaphore(%run_scoped3A : memref<!tpu.dma_semaphore, #tpu.memory_space<semaphore_mem>>)
      %dma_wait3A = arith.constant 0 : i32
      %dma_wait3A_114 = tpu.memref_slice %arg13[%dma_wait3A] : memref<512xf32, #tpu.memory_space<vmem_shared>> -> memref<256xf32, #tpu.memory_space<vmem_shared>>
      %dma_wait3A_115 = arith.constant 0 : i32
      %dma_wait3A_116 = tpu.memref_slice %arg13[%dma_wait3A_115] : memref<512xf32, #tpu.memory_space<vmem_shared>> -> memref<256xf32, #tpu.memory_space<vmem_shared>>
      tpu.wait_dma2 semaphore(%run_scoped3A : memref<!tpu.dma_semaphore, #tpu.memory_space<semaphore_mem>>) src(%dma_wait3A_116 : memref<256xf32, #tpu.memory_space<vmem_shared>>) dst(%arg11 : memref<256xf32, #tpu.memory_space<vmem>>)
      tpu.yield
    }) : () -> ()
    %mul3A_51 = arith.constant 16 : i32
    %mul3A_52 = vector.broadcast %mul3A_51 : i32 to vector<16xi32>
    %mul3A_53 = arith.muli %iota3A, %mul3A_52 : vector<16xi32>
    %gather3A_54 = tpu.vector_load_idx %arg11[%mul3A_53] : memref<256xf32, #tpu.memory_space<vmem>>[vector<16xi32>], vector<16xf32>,
    %add3A_55 = arith.constant 1 : i32
    %add3A_56 = vector.broadcast %add3A_55 : i32 to vector<16xi32>
    %add3A_57 = arith.addi %mul3A_53, %add3A_56 : vector<16xi32>
    %gather3A_58 = tpu.vector_load_idx %arg11[%add3A_57] : memref<256xf32, #tpu.memory_space<vmem>>[vector<16xi32>], vector<16xf32>,
    %bitcast3A = vector.bitcast %gather3A_58 : vector<16xf32> to vector<16xi32>
    %reduce_max3A = arith.constant true
    %reduce_max3A_59 = vector.broadcast %reduce_max3A : i1 to vector<16xi1>
    %reduce_max3A_60 = tpu.scan <max>, %gather3A_54 masked %reduce_max3A_59 : vector<16xf32>, vector<16xi1> -> vector<16xf32>
    %reduce_max3A_61 = vector.extract %reduce_max3A_60[15] : f32 from vector<16xf32>
    %eq3A_62 = vector.broadcast %reduce_max3A_61 : f32 to vector<16xf32>
    %eq3A_63 = arith.cmpf oeq, %gather3A_54, %eq3A_62 : vector<16xf32>
    %jit3A_64 = arith.constant 2147483647 : i32
    %broadcast_in_dim3A_65 = vector.broadcast %jit3A_64 : i32 to vector<16xi32>
    %select_n3A_66 = arith.select %eq3A_63, %bitcast3A, %broadcast_in_dim3A_65 : vector<16xi1>, vector<16xi32>
    %reduce_min3A = arith.constant true
    %reduce_min3A_67 = vector.broadcast %reduce_min3A : i1 to vector<16xi1>
    %reduce_min3A_68 = arith.constant -2147483648 : i32
    %reduce_min3A_69 = vector.broadcast %reduce_min3A_68 : i32 to vector<16xi32>
    %reduce_min3A_70 = arith.xori %select_n3A_66, %reduce_min3A_69 : vector<16xi32>
    %reduce_min3A_71 = tpu.scan <min>, %reduce_min3A_70 masked %reduce_min3A_67 : vector<16xi32>, vector<16xi1> -> vector<16xi32>
    %reduce_min3A_72 = arith.xori %reduce_min3A_71, %reduce_min3A_69 : vector<16xi32>
    %reduce_min3A_73 = vector.extract %reduce_min3A_72[15] : i32 from vector<16xi32>
    %shift_right_arithmetic3A = arith.constant 12 : i32
    %shift_right_arithmetic3A_74 = arith.shrsi %reduce_min3A_73, %shift_right_arithmetic3A : i32
    %mul3A_75 = arith.constant 16 : i32
    %mul3A_76 = arith.muli %shift_right_arithmetic3A_74, %mul3A_75 : i32
    %add3A_77 = arith.constant 2 : i32
    %add3A_78 = arith.addi %mul3A_76, %add3A_77 : i32
    %broadcast_in_dim3A_79 = vector.broadcast %add3A_78 : i32 to vector<16xi32>
    %gather3A_80 = tpu.vector_load_idx %arg11[%broadcast_in_dim3A_79] : memref<256xf32, #tpu.memory_space<vmem>>[vector<16xi32>], vector<16xf32>,
    %slice3A_81 = vector.extract_strided_slice %gather3A_80 {offsets = [0], sizes = [1], strides = [1]} : vector<16xf32> to vector<1xf32>
    %squeeze3A_82 = vector.extract %slice3A_81[0] : f32 from vector<1xf32>
    %add3A_83 = arith.constant 3 : i32
    %add3A_84 = arith.addi %mul3A_76, %add3A_83 : i32
    %broadcast_in_dim3A_85 = vector.broadcast %add3A_84 : i32 to vector<16xi32>
    %gather3A_86 = tpu.vector_load_idx %arg11[%broadcast_in_dim3A_85] : memref<256xf32, #tpu.memory_space<vmem>>[vector<16xi32>], vector<16xf32>,
    %slice3A_87 = vector.extract_strided_slice %gather3A_86 {offsets = [0], sizes = [1], strides = [1]} : vector<16xf32> to vector<1xf32>
    %squeeze3A_88 = vector.extract %slice3A_87[0] : f32 from vector<1xf32>
    %add3A_89 = arith.constant 4 : i32
    %add3A_90 = arith.addi %mul3A_76, %add3A_89 : i32
    %broadcast_in_dim3A_91 = vector.broadcast %add3A_90 : i32 to vector<16xi32>
    %gather3A_92 = tpu.vector_load_idx %arg11[%broadcast_in_dim3A_91] : memref<256xf32, #tpu.memory_space<vmem>>[vector<16xi32>], vector<16xf32>,
    %slice3A_93 = vector.extract_strided_slice %gather3A_92 {offsets = [0], sizes = [1], strides = [1]} : vector<16xf32> to vector<1xf32>
    %squeeze3A_94 = vector.extract %slice3A_93[0] : f32 from vector<1xf32>
    %broadcast_in_dim3A_95 = arith.constant 0 : i32
    %broadcast_in_dim3A_96 = vector.broadcast %broadcast_in_dim3A_95 : i32 to vector<16xi32>
    %broadcast_in_dim3A_97 = arith.constant 0 : i32
    %broadcast_in_dim3A_98 = vector.broadcast %broadcast_in_dim3A_97 : i32 to vector<16xi32>
    %eq3A_99 = arith.constant 0 : i32
    %eq3A_100 = vector.broadcast %eq3A_99 : i32 to vector<16xi32>
    %eq3A_101 = arith.cmpi eq, %iota3A, %eq3A_100 : vector<16xi32>
    tpu.vector_store_idx %arg12[%broadcast_in_dim3A_96], %broadcast_in_dim3A_98 masked %eq3A_101 : memref<1024xi32, #tpu.memory_space<vmem>>[vector<16xi32>], vector<16xi32>, vector<16xi1>
    %scan3A_102 = arith.constant 1 : i32
    %scan3A_103 = arith.constant 1023 : i32
    %scan3A_104 = arith.addi %scan3A_102, %scan3A_103 : i32
    %scan3A_105 = arith.constant 1 : i32
    %scan3A_106:3 = scf.for %scan3A_111 = %scan3A_102 to %scan3A_104 step %scan3A_105 iter_args(%scan3A_112 = %squeeze3A_82, %scan3A_113 = %squeeze3A_88, %scan3A_114 = %squeeze3A_94) -> (f32, f32, f32)  : i32 {
      %broadcast_in_dim3A_115 = arith.constant 0xFF800000 : f32
      %broadcast_in_dim3A_116 = vector.broadcast %broadcast_in_dim3A_115 : f32 to vector<16xf32>
      %broadcast_in_dim3A_117 = arith.constant 0xFF800000 : f32
      %broadcast_in_dim3A_118 = vector.broadcast %broadcast_in_dim3A_117 : f32 to vector<16xf32>
      %broadcast_in_dim3A_119 = arith.constant 0xFF800000 : f32
      %broadcast_in_dim3A_120 = vector.broadcast %broadcast_in_dim3A_119 : f32 to vector<16xf32>
      %broadcast_in_dim3A_121 = arith.constant 0xFF800000 : f32
      %broadcast_in_dim3A_122 = vector.broadcast %broadcast_in_dim3A_121 : f32 to vector<16xf32>
      %broadcast_in_dim3A_123 = arith.constant 0xFF800000 : f32
      %broadcast_in_dim3A_124 = vector.broadcast %broadcast_in_dim3A_123 : f32 to vector<16xf32>
      %broadcast_in_dim3A_125 = arith.constant 0xFF800000 : f32
      %broadcast_in_dim3A_126 = vector.broadcast %broadcast_in_dim3A_125 : f32 to vector<16xf32>
      %broadcast_in_dim3A_127 = arith.constant 0xFF800000 : f32
      %broadcast_in_dim3A_128 = vector.broadcast %broadcast_in_dim3A_127 : f32 to vector<16xf32>
      %broadcast_in_dim3A_129 = arith.constant 0xFF800000 : f32
      %broadcast_in_dim3A_130 = vector.broadcast %broadcast_in_dim3A_129 : f32 to vector<16xf32>
      %broadcast_in_dim3A_131 = arith.constant 0 : i32
      %broadcast_in_dim3A_132 = vector.broadcast %broadcast_in_dim3A_131 : i32 to vector<16xi32>
      %broadcast_in_dim3A_133 = arith.constant 0 : i32
      %broadcast_in_dim3A_134 = vector.broadcast %broadcast_in_dim3A_133 : i32 to vector<16xi32>
      %broadcast_in_dim3A_135 = arith.constant 0 : i32
      %broadcast_in_dim3A_136 = vector.broadcast %broadcast_in_dim3A_135 : i32 to vector<16xi32>
      %broadcast_in_dim3A_137 = arith.constant 0 : i32
      %broadcast_in_dim3A_138 = vector.broadcast %broadcast_in_dim3A_137 : i32 to vector<16xi32>
      %broadcast_in_dim3A_139 = arith.constant 0 : i32
      %broadcast_in_dim3A_140 = vector.broadcast %broadcast_in_dim3A_139 : i32 to vector<16xi32>
      %broadcast_in_dim3A_141 = arith.constant 0 : i32
      %broadcast_in_dim3A_142 = vector.broadcast %broadcast_in_dim3A_141 : i32 to vector<16xi32>
      %broadcast_in_dim3A_143 = arith.constant 0 : i32
      %broadcast_in_dim3A_144 = vector.broadcast %broadcast_in_dim3A_143 : i32 to vector<16xi32>
      %broadcast_in_dim3A_145 = arith.constant 0 : i32
      %broadcast_in_dim3A_146 = vector.broadcast %broadcast_in_dim3A_145 : i32 to vector<16xi32>
      %parallel_loop3A = arith.constant 0 : i32
      %parallel_loop3A_147 = arith.constant 32 : i32
      %parallel_loop3A_148 = arith.constant 1 : i32
      %parallel_loop3A_149:16 = scf.for %parallel_loop3A_350 = %parallel_loop3A to %parallel_loop3A_147 step %parallel_loop3A_148 iter_args(%parallel_loop3A_351 = %broadcast_in_dim3A_116, %parallel_loop3A_352 = %broadcast_in_dim3A_118, %parallel_loop3A_353 = %broadcast_in_dim3A_120, %parallel_loop3A_354 = %broadcast_in_dim3A_122, %parallel_loop3A_355 = %broadcast_in_dim3A_124, %parallel_loop3A_356 = %broadcast_in_dim3A_126, %parallel_loop3A_357 = %broadcast_in_dim3A_128, %parallel_loop3A_358 = %broadcast_in_dim3A_130, %parallel_loop3A_359 = %broadcast_in_dim3A_132, %parallel_loop3A_360 = %broadcast_in_dim3A_134, %parallel_loop3A_361 = %broadcast_in_dim3A_136, %parallel_loop3A_362 = %broadcast_in_dim3A_138, %parallel_loop3A_363 = %broadcast_in_dim3A_140, %parallel_loop3A_364 = %broadcast_in_dim3A_142, %parallel_loop3A_365 = %broadcast_in_dim3A_144, %parallel_loop3A_366 = %broadcast_in_dim3A_146) -> (vector<16xf32>, vector<16xf32>, vector<16xf32>, vector<16xf32>, vector<16xf32>, vector<16xf32>, vector<16xf32>, vector<16xf32>, vector<16xi32>, vector<16xi32>, vector<16xi32>, vector<16xi32>, vector<16xi32>, vector<16xi32>, vector<16xi32>, vector<16xi32>)  : i32 {
        %parallel_loop3A_367 = arith.constant 8 : i32
        %parallel_loop3A_368 = arith.muli %parallel_loop3A_350, %parallel_loop3A_367 : i32
        %parallel_loop3A_369 = arith.constant 0 : i32
        %parallel_loop3A_370 = arith.addi %parallel_loop3A_368, %parallel_loop3A_369 : i32
        %parallel_loop3A_371 = arith.constant 16 : i32
        %parallel_loop3A_372 = arith.muli %parallel_loop3A_370, %parallel_loop3A_371 : i32
        %parallel_loop3A_373 = arith.index_cast %parallel_loop3A_372 : i32 to index
        %parallel_loop3A_374 = tpu.vector_load %arg6[%parallel_loop3A_373] {strides = array<i32>} : memref<4096xf32, #tpu.memory_space<vmem>>, vector<16xf32>,
        %parallel_loop3A_375 = vector.broadcast %scan3A_112 : f32 to vector<16xf32>
        %parallel_loop3A_376 = arith.subf %parallel_loop3A_374, %parallel_loop3A_375 : vector<16xf32>
        %parallel_loop3A_377 = arith.index_cast %parallel_loop3A_372 : i32 to index
        %parallel_loop3A_378 = tpu.vector_load %arg7[%parallel_loop3A_377] {strides = array<i32>} : memref<4096xf32, #tpu.memory_space<vmem>>, vector<16xf32>,
        %parallel_loop3A_379 = vector.broadcast %scan3A_113 : f32 to vector<16xf32>
        %parallel_loop3A_380 = arith.subf %parallel_loop3A_378, %parallel_loop3A_379 : vector<16xf32>
        %parallel_loop3A_381 = arith.index_cast %parallel_loop3A_372 : i32 to index
        %parallel_loop3A_382 = tpu.vector_load %arg8[%parallel_loop3A_381] {strides = array<i32>} : memref<4096xf32, #tpu.memory_space<vmem>>, vector<16xf32>,
        %parallel_loop3A_383 = vector.broadcast %scan3A_114 : f32 to vector<16xf32>
        %parallel_loop3A_384 = arith.subf %parallel_loop3A_382, %parallel_loop3A_383 : vector<16xf32>
        %parallel_loop3A_385 = arith.mulf %parallel_loop3A_376, %parallel_loop3A_376 : vector<16xf32>
        %parallel_loop3A_386 = arith.mulf %parallel_loop3A_380, %parallel_loop3A_380 : vector<16xf32>
        %parallel_loop3A_387 = arith.addf %parallel_loop3A_385, %parallel_loop3A_386 : vector<16xf32>
        %parallel_loop3A_388 = arith.mulf %parallel_loop3A_384, %parallel_loop3A_384 : vector<16xf32>
        %parallel_loop3A_389 = arith.addf %parallel_loop3A_387, %parallel_loop3A_388 : vector<16xf32>
        %parallel_loop3A_390 = arith.index_cast %parallel_loop3A_372 : i32 to index
        %parallel_loop3A_391 = tpu.vector_load %arg9[%parallel_loop3A_390] {strides = array<i32>} : memref<4096xf32, #tpu.memory_space<vmem>>, vector<16xf32>,
        %parallel_loop3A_392 = arith.minimumf %parallel_loop3A_391, %parallel_loop3A_389 : vector<16xf32>
        %parallel_loop3A_393 = arith.index_cast %parallel_loop3A_372 : i32 to index
        %parallel_loop3A_394 = tpu.vector_load %arg9[%parallel_loop3A_393] {strides = array<i32>} : memref<4096xf32, #tpu.memory_space<vmem>>, vector<16xf32>,
        tpu.vector_store %arg9[%parallel_loop3A_393], %parallel_loop3A_392 {strides = array<i32>} : memref<4096xf32, #tpu.memory_space<vmem>>, vector<16xf32>,
        %parallel_loop3A_395 = arith.cmpf ogt, %parallel_loop3A_392, %parallel_loop3A_351 : vector<16xf32>
        %parallel_loop3A_396 = arith.select %parallel_loop3A_395, %parallel_loop3A_392, %parallel_loop3A_351 : vector<16xi1>, vector<16xf32>
        %parallel_loop3A_397 = vector.broadcast %parallel_loop3A_370 : i32 to vector<16xi32>
        %parallel_loop3A_398 = arith.select %parallel_loop3A_395, %parallel_loop3A_397, %parallel_loop3A_359 : vector<16xi1>, vector<16xi32>
        %parallel_loop3A_399 = arith.constant 8 : i32
        %parallel_loop3A_400 = arith.muli %parallel_loop3A_350, %parallel_loop3A_399 : i32
        %parallel_loop3A_401 = arith.constant 1 : i32
        %parallel_loop3A_402 = arith.addi %parallel_loop3A_400, %parallel_loop3A_401 : i32
        %parallel_loop3A_403 = arith.constant 16 : i32
        %parallel_loop3A_404 = arith.muli %parallel_loop3A_402, %parallel_loop3A_403 : i32
        %parallel_loop3A_405 = arith.index_cast %parallel_loop3A_404 : i32 to index
        %parallel_loop3A_406 = tpu.vector_load %arg6[%parallel_loop3A_405] {strides = array<i32>} : memref<4096xf32, #tpu.memory_space<vmem>>, vector<16xf32>,
        %parallel_loop3A_407 = vector.broadcast %scan3A_112 : f32 to vector<16xf32>
        %parallel_loop3A_408 = arith.subf %parallel_loop3A_406, %parallel_loop3A_407 : vector<16xf32>
        %parallel_loop3A_409 = arith.index_cast %parallel_loop3A_404 : i32 to index
        %parallel_loop3A_410 = tpu.vector_load %arg7[%parallel_loop3A_409] {strides = array<i32>} : memref<4096xf32, #tpu.memory_space<vmem>>, vector<16xf32>,
        %parallel_loop3A_411 = vector.broadcast %scan3A_113 : f32 to vector<16xf32>
        %parallel_loop3A_412 = arith.subf %parallel_loop3A_410, %parallel_loop3A_411 : vector<16xf32>
        %parallel_loop3A_413 = arith.index_cast %parallel_loop3A_404 : i32 to index
        %parallel_loop3A_414 = tpu.vector_load %arg8[%parallel_loop3A_413] {strides = array<i32>} : memref<4096xf32, #tpu.memory_space<vmem>>, vector<16xf32>,
        %parallel_loop3A_415 = vector.broadcast %scan3A_114 : f32 to vector<16xf32>
        %parallel_loop3A_416 = arith.subf %parallel_loop3A_414, %parallel_loop3A_415 : vector<16xf32>
        %parallel_loop3A_417 = arith.mulf %parallel_loop3A_408, %parallel_loop3A_408 : vector<16xf32>
        %parallel_loop3A_418 = arith.mulf %parallel_loop3A_412, %parallel_loop3A_412 : vector<16xf32>
        %parallel_loop3A_419 = arith.addf %parallel_loop3A_417, %parallel_loop3A_418 : vector<16xf32>
        %parallel_loop3A_420 = arith.mulf %parallel_loop3A_416, %parallel_loop3A_416 : vector<16xf32>
        %parallel_loop3A_421 = arith.addf %parallel_loop3A_419, %parallel_loop3A_420 : vector<16xf32>
        %parallel_loop3A_422 = arith.index_cast %parallel_loop3A_404 : i32 to index
        %parallel_loop3A_423 = tpu.vector_load %arg9[%parallel_loop3A_422] {strides = array<i32>} : memref<4096xf32, #tpu.memory_space<vmem>>, vector<16xf32>,
        %parallel_loop3A_424 = arith.minimumf %parallel_loop3A_423, %parallel_loop3A_421 : vector<16xf32>
        %parallel_loop3A_425 = arith.index_cast %parallel_loop3A_404 : i32 to index
        %parallel_loop3A_426 = tpu.vector_load %arg9[%parallel_loop3A_425] {strides = array<i32>} : memref<4096xf32, #tpu.memory_space<vmem>>, vector<16xf32>,
        tpu.vector_store %arg9[%parallel_loop3A_425], %parallel_loop3A_424 {strides = array<i32>} : memref<4096xf32, #tpu.memory_space<vmem>>, vector<16xf32>,
        %parallel_loop3A_427 = arith.cmpf ogt, %parallel_loop3A_424, %parallel_loop3A_352 : vector<16xf32>
        %parallel_loop3A_428 = arith.select %parallel_loop3A_427, %parallel_loop3A_424, %parallel_loop3A_352 : vector<16xi1>, vector<16xf32>
        %parallel_loop3A_429 = vector.broadcast %parallel_loop3A_402 : i32 to vector<16xi32>
        %parallel_loop3A_430 = arith.select %parallel_loop3A_427, %parallel_loop3A_429, %parallel_loop3A_360 : vector<16xi1>, vector<16xi32>
        %parallel_loop3A_431 = arith.constant 8 : i32
        %parallel_loop3A_432 = arith.muli %parallel_loop3A_350, %parallel_loop3A_431 : i32
        %parallel_loop3A_433 = arith.constant 2 : i32
        %parallel_loop3A_434 = arith.addi %parallel_loop3A_432, %parallel_loop3A_433 : i32
        %parallel_loop3A_435 = arith.constant 16 : i32
        %parallel_loop3A_436 = arith.muli %parallel_loop3A_434, %parallel_loop3A_435 : i32
        %parallel_loop3A_437 = arith.index_cast %parallel_loop3A_436 : i32 to index
        %parallel_loop3A_438 = tpu.vector_load %arg6[%parallel_loop3A_437] {strides = array<i32>} : memref<4096xf32, #tpu.memory_space<vmem>>, vector<16xf32>,
        %parallel_loop3A_439 = vector.broadcast %scan3A_112 : f32 to vector<16xf32>
        %parallel_loop3A_440 = arith.subf %parallel_loop3A_438, %parallel_loop3A_439 : vector<16xf32>
        %parallel_loop3A_441 = arith.index_cast %parallel_loop3A_436 : i32 to index
        %parallel_loop3A_442 = tpu.vector_load %arg7[%parallel_loop3A_441] {strides = array<i32>} : memref<4096xf32, #tpu.memory_space<vmem>>, vector<16xf32>,
        %parallel_loop3A_443 = vector.broadcast %scan3A_113 : f32 to vector<16xf32>
        %parallel_loop3A_444 = arith.subf %parallel_loop3A_442, %parallel_loop3A_443 : vector<16xf32>
        %parallel_loop3A_445 = arith.index_cast %parallel_loop3A_436 : i32 to index
        %parallel_loop3A_446 = tpu.vector_load %arg8[%parallel_loop3A_445] {strides = array<i32>} : memref<4096xf32, #tpu.memory_space<vmem>>, vector<16xf32>,
        %parallel_loop3A_447 = vector.broadcast %scan3A_114 : f32 to vector<16xf32>
        %parallel_loop3A_448 = arith.subf %parallel_loop3A_446, %parallel_loop3A_447 : vector<16xf32>
        %parallel_loop3A_449 = arith.mulf %parallel_loop3A_440, %parallel_loop3A_440 : vector<16xf32>
        %parallel_loop3A_450 = arith.mulf %parallel_loop3A_444, %parallel_loop3A_444 : vector<16xf32>
        %parallel_loop3A_451 = arith.addf %parallel_loop3A_449, %parallel_loop3A_450 : vector<16xf32>
        %parallel_loop3A_452 = arith.mulf %parallel_loop3A_448, %parallel_loop3A_448 : vector<16xf32>
        %parallel_loop3A_453 = arith.addf %parallel_loop3A_451, %parallel_loop3A_452 : vector<16xf32>
        %parallel_loop3A_454 = arith.index_cast %parallel_loop3A_436 : i32 to index
        %parallel_loop3A_455 = tpu.vector_load %arg9[%parallel_loop3A_454] {strides = array<i32>} : memref<4096xf32, #tpu.memory_space<vmem>>, vector<16xf32>,
        %parallel_loop3A_456 = arith.minimumf %parallel_loop3A_455, %parallel_loop3A_453 : vector<16xf32>
        %parallel_loop3A_457 = arith.index_cast %parallel_loop3A_436 : i32 to index
        %parallel_loop3A_458 = tpu.vector_load %arg9[%parallel_loop3A_457] {strides = array<i32>} : memref<4096xf32, #tpu.memory_space<vmem>>, vector<16xf32>,
        tpu.vector_store %arg9[%parallel_loop3A_457], %parallel_loop3A_456 {strides = array<i32>} : memref<4096xf32, #tpu.memory_space<vmem>>, vector<16xf32>,
        %parallel_loop3A_459 = arith.cmpf ogt, %parallel_loop3A_456, %parallel_loop3A_353 : vector<16xf32>
        %parallel_loop3A_460 = arith.select %parallel_loop3A_459, %parallel_loop3A_456, %parallel_loop3A_353 : vector<16xi1>, vector<16xf32>
        %parallel_loop3A_461 = vector.broadcast %parallel_loop3A_434 : i32 to vector<16xi32>
        %parallel_loop3A_462 = arith.select %parallel_loop3A_459, %parallel_loop3A_461, %parallel_loop3A_361 : vector<16xi1>, vector<16xi32>
        %parallel_loop3A_463 = arith.constant 8 : i32
        %parallel_loop3A_464 = arith.muli %parallel_loop3A_350, %parallel_loop3A_463 : i32
        %parallel_loop3A_465 = arith.constant 3 : i32
        %parallel_loop3A_466 = arith.addi %parallel_loop3A_464, %parallel_loop3A_465 : i32
        %parallel_loop3A_467 = arith.constant 16 : i32
        %parallel_loop3A_468 = arith.muli %parallel_loop3A_466, %parallel_loop3A_467 : i32
        %parallel_loop3A_469 = arith.index_cast %parallel_loop3A_468 : i32 to index
        %parallel_loop3A_470 = tpu.vector_load %arg6[%parallel_loop3A_469] {strides = array<i32>} : memref<4096xf32, #tpu.memory_space<vmem>>, vector<16xf32>,
        %parallel_loop3A_471 = vector.broadcast %scan3A_112 : f32 to vector<16xf32>
        %parallel_loop3A_472 = arith.subf %parallel_loop3A_470, %parallel_loop3A_471 : vector<16xf32>
        %parallel_loop3A_473 = arith.index_cast %parallel_loop3A_468 : i32 to index
        %parallel_loop3A_474 = tpu.vector_load %arg7[%parallel_loop3A_473] {strides = array<i32>} : memref<4096xf32, #tpu.memory_space<vmem>>, vector<16xf32>,
        %parallel_loop3A_475 = vector.broadcast %scan3A_113 : f32 to vector<16xf32>
        %parallel_loop3A_476 = arith.subf %parallel_loop3A_474, %parallel_loop3A_475 : vector<16xf32>
        %parallel_loop3A_477 = arith.index_cast %parallel_loop3A_468 : i32 to index
        %parallel_loop3A_478 = tpu.vector_load %arg8[%parallel_loop3A_477] {strides = array<i32>} : memref<4096xf32, #tpu.memory_space<vmem>>, vector<16xf32>,
        %parallel_loop3A_479 = vector.broadcast %scan3A_114 : f32 to vector<16xf32>
        %parallel_loop3A_480 = arith.subf %parallel_loop3A_478, %parallel_loop3A_479 : vector<16xf32>
        %parallel_loop3A_481 = arith.mulf %parallel_loop3A_472, %parallel_loop3A_472 : vector<16xf32>
        %parallel_loop3A_482 = arith.mulf %parallel_loop3A_476, %parallel_loop3A_476 : vector<16xf32>
        %parallel_loop3A_483 = arith.addf %parallel_loop3A_481, %parallel_loop3A_482 : vector<16xf32>
        %parallel_loop3A_484 = arith.mulf %parallel_loop3A_480, %parallel_loop3A_480 : vector<16xf32>
        %parallel_loop3A_485 = arith.addf %parallel_loop3A_483, %parallel_loop3A_484 : vector<16xf32>
        %parallel_loop3A_486 = arith.index_cast %parallel_loop3A_468 : i32 to index
        %parallel_loop3A_487 = tpu.vector_load %arg9[%parallel_loop3A_486] {strides = array<i32>} : memref<4096xf32, #tpu.memory_space<vmem>>, vector<16xf32>,
        %parallel_loop3A_488 = arith.minimumf %parallel_loop3A_487, %parallel_loop3A_485 : vector<16xf32>
        %parallel_loop3A_489 = arith.index_cast %parallel_loop3A_468 : i32 to index
        %parallel_loop3A_490 = tpu.vector_load %arg9[%parallel_loop3A_489] {strides = array<i32>} : memref<4096xf32, #tpu.memory_space<vmem>>, vector<16xf32>,
        tpu.vector_store %arg9[%parallel_loop3A_489], %parallel_loop3A_488 {strides = array<i32>} : memref<4096xf32, #tpu.memory_space<vmem>>, vector<16xf32>,
        %parallel_loop3A_491 = arith.cmpf ogt, %parallel_loop3A_488, %parallel_loop3A_354 : vector<16xf32>
        %parallel_loop3A_492 = arith.select %parallel_loop3A_491, %parallel_loop3A_488, %parallel_loop3A_354 : vector<16xi1>, vector<16xf32>
        %parallel_loop3A_493 = vector.broadcast %parallel_loop3A_466 : i32 to vector<16xi32>
        %parallel_loop3A_494 = arith.select %parallel_loop3A_491, %parallel_loop3A_493, %parallel_loop3A_362 : vector<16xi1>, vector<16xi32>
        %parallel_loop3A_495 = arith.constant 8 : i32
        %parallel_loop3A_496 = arith.muli %parallel_loop3A_350, %parallel_loop3A_495 : i32
        %parallel_loop3A_497 = arith.constant 4 : i32
        %parallel_loop3A_498 = arith.addi %parallel_loop3A_496, %parallel_loop3A_497 : i32
        %parallel_loop3A_499 = arith.constant 16 : i32
        %parallel_loop3A_500 = arith.muli %parallel_loop3A_498, %parallel_loop3A_499 : i32
        %parallel_loop3A_501 = arith.index_cast %parallel_loop3A_500 : i32 to index
        %parallel_loop3A_502 = tpu.vector_load %arg6[%parallel_loop3A_501] {strides = array<i32>} : memref<4096xf32, #tpu.memory_space<vmem>>, vector<16xf32>,
        %parallel_loop3A_503 = vector.broadcast %scan3A_112 : f32 to vector<16xf32>
        %parallel_loop3A_504 = arith.subf %parallel_loop3A_502, %parallel_loop3A_503 : vector<16xf32>
        %parallel_loop3A_505 = arith.index_cast %parallel_loop3A_500 : i32 to index
        %parallel_loop3A_506 = tpu.vector_load %arg7[%parallel_loop3A_505] {strides = array<i32>} : memref<4096xf32, #tpu.memory_space<vmem>>, vector<16xf32>,
        %parallel_loop3A_507 = vector.broadcast %scan3A_113 : f32 to vector<16xf32>
        %parallel_loop3A_508 = arith.subf %parallel_loop3A_506, %parallel_loop3A_507 : vector<16xf32>
        %parallel_loop3A_509 = arith.index_cast %parallel_loop3A_500 : i32 to index
        %parallel_loop3A_510 = tpu.vector_load %arg8[%parallel_loop3A_509] {strides = array<i32>} : memref<4096xf32, #tpu.memory_space<vmem>>, vector<16xf32>,
        %parallel_loop3A_511 = vector.broadcast %scan3A_114 : f32 to vector<16xf32>
        %parallel_loop3A_512 = arith.subf %parallel_loop3A_510, %parallel_loop3A_511 : vector<16xf32>
        %parallel_loop3A_513 = arith.mulf %parallel_loop3A_504, %parallel_loop3A_504 : vector<16xf32>
        %parallel_loop3A_514 = arith.mulf %parallel_loop3A_508, %parallel_loop3A_508 : vector<16xf32>
        %parallel_loop3A_515 = arith.addf %parallel_loop3A_513, %parallel_loop3A_514 : vector<16xf32>
        %parallel_loop3A_516 = arith.mulf %parallel_loop3A_512, %parallel_loop3A_512 : vector<16xf32>
        %parallel_loop3A_517 = arith.addf %parallel_loop3A_515, %parallel_loop3A_516 : vector<16xf32>
        %parallel_loop3A_518 = arith.index_cast %parallel_loop3A_500 : i32 to index
        %parallel_loop3A_519 = tpu.vector_load %arg9[%parallel_loop3A_518] {strides = array<i32>} : memref<4096xf32, #tpu.memory_space<vmem>>, vector<16xf32>,
        %parallel_loop3A_520 = arith.minimumf %parallel_loop3A_519, %parallel_loop3A_517 : vector<16xf32>
        %parallel_loop3A_521 = arith.index_cast %parallel_loop3A_500 : i32 to index
        %parallel_loop3A_522 = tpu.vector_load %arg9[%parallel_loop3A_521] {strides = array<i32>} : memref<4096xf32, #tpu.memory_space<vmem>>, vector<16xf32>,
        tpu.vector_store %arg9[%parallel_loop3A_521], %parallel_loop3A_520 {strides = array<i32>} : memref<4096xf32, #tpu.memory_space<vmem>>, vector<16xf32>,
        %parallel_loop3A_523 = arith.cmpf ogt, %parallel_loop3A_520, %parallel_loop3A_355 : vector<16xf32>
        %parallel_loop3A_524 = arith.select %parallel_loop3A_523, %parallel_loop3A_520, %parallel_loop3A_355 : vector<16xi1>, vector<16xf32>
        %parallel_loop3A_525 = vector.broadcast %parallel_loop3A_498 : i32 to vector<16xi32>
        %parallel_loop3A_526 = arith.select %parallel_loop3A_523, %parallel_loop3A_525, %parallel_loop3A_363 : vector<16xi1>, vector<16xi32>
        %parallel_loop3A_527 = arith.constant 8 : i32
        %parallel_loop3A_528 = arith.muli %parallel_loop3A_350, %parallel_loop3A_527 : i32
        %parallel_loop3A_529 = arith.constant 5 : i32
        %parallel_loop3A_530 = arith.addi %parallel_loop3A_528, %parallel_loop3A_529 : i32
        %parallel_loop3A_531 = arith.constant 16 : i32
        %parallel_loop3A_532 = arith.muli %parallel_loop3A_530, %parallel_loop3A_531 : i32
        %parallel_loop3A_533 = arith.index_cast %parallel_loop3A_532 : i32 to index
        %parallel_loop3A_534 = tpu.vector_load %arg6[%parallel_loop3A_533] {strides = array<i32>} : memref<4096xf32, #tpu.memory_space<vmem>>, vector<16xf32>,
        %parallel_loop3A_535 = vector.broadcast %scan3A_112 : f32 to vector<16xf32>
        %parallel_loop3A_536 = arith.subf %parallel_loop3A_534, %parallel_loop3A_535 : vector<16xf32>
        %parallel_loop3A_537 = arith.index_cast %parallel_loop3A_532 : i32 to index
        %parallel_loop3A_538 = tpu.vector_load %arg7[%parallel_loop3A_537] {strides = array<i32>} : memref<4096xf32, #tpu.memory_space<vmem>>, vector<16xf32>,
        %parallel_loop3A_539 = vector.broadcast %scan3A_113 : f32 to vector<16xf32>
        %parallel_loop3A_540 = arith.subf %parallel_loop3A_538, %parallel_loop3A_539 : vector<16xf32>
        %parallel_loop3A_541 = arith.index_cast %parallel_loop3A_532 : i32 to index
        %parallel_loop3A_542 = tpu.vector_load %arg8[%parallel_loop3A_541] {strides = array<i32>} : memref<4096xf32, #tpu.memory_space<vmem>>, vector<16xf32>,
        %parallel_loop3A_543 = vector.broadcast %scan3A_114 : f32 to vector<16xf32>
        %parallel_loop3A_544 = arith.subf %parallel_loop3A_542, %parallel_loop3A_543 : vector<16xf32>
        %parallel_loop3A_545 = arith.mulf %parallel_loop3A_536, %parallel_loop3A_536 : vector<16xf32>
        %parallel_loop3A_546 = arith.mulf %parallel_loop3A_540, %parallel_loop3A_540 : vector<16xf32>
        %parallel_loop3A_547 = arith.addf %parallel_loop3A_545, %parallel_loop3A_546 : vector<16xf32>
        %parallel_loop3A_548 = arith.mulf %parallel_loop3A_544, %parallel_loop3A_544 : vector<16xf32>
        %parallel_loop3A_549 = arith.addf %parallel_loop3A_547, %parallel_loop3A_548 : vector<16xf32>
        %parallel_loop3A_550 = arith.index_cast %parallel_loop3A_532 : i32 to index
        %parallel_loop3A_551 = tpu.vector_load %arg9[%parallel_loop3A_550] {strides = array<i32>} : memref<4096xf32, #tpu.memory_space<vmem>>, vector<16xf32>,
        %parallel_loop3A_552 = arith.minimumf %parallel_loop3A_551, %parallel_loop3A_549 : vector<16xf32>
        %parallel_loop3A_553 = arith.index_cast %parallel_loop3A_532 : i32 to index
        %parallel_loop3A_554 = tpu.vector_load %arg9[%parallel_loop3A_553] {strides = array<i32>} : memref<4096xf32, #tpu.memory_space<vmem>>, vector<16xf32>,
        tpu.vector_store %arg9[%parallel_loop3A_553], %parallel_loop3A_552 {strides = array<i32>} : memref<4096xf32, #tpu.memory_space<vmem>>, vector<16xf32>,
        %parallel_loop3A_555 = arith.cmpf ogt, %parallel_loop3A_552, %parallel_loop3A_356 : vector<16xf32>
        %parallel_loop3A_556 = arith.select %parallel_loop3A_555, %parallel_loop3A_552, %parallel_loop3A_356 : vector<16xi1>, vector<16xf32>
        %parallel_loop3A_557 = vector.broadcast %parallel_loop3A_530 : i32 to vector<16xi32>
        %parallel_loop3A_558 = arith.select %parallel_loop3A_555, %parallel_loop3A_557, %parallel_loop3A_364 : vector<16xi1>, vector<16xi32>
        %parallel_loop3A_559 = arith.constant 8 : i32
        %parallel_loop3A_560 = arith.muli %parallel_loop3A_350, %parallel_loop3A_559 : i32
        %parallel_loop3A_561 = arith.constant 6 : i32
        %parallel_loop3A_562 = arith.addi %parallel_loop3A_560, %parallel_loop3A_561 : i32
        %parallel_loop3A_563 = arith.constant 16 : i32
        %parallel_loop3A_564 = arith.muli %parallel_loop3A_562, %parallel_loop3A_563 : i32
        %parallel_loop3A_565 = arith.index_cast %parallel_loop3A_564 : i32 to index
        %parallel_loop3A_566 = tpu.vector_load %arg6[%parallel_loop3A_565] {strides = array<i32>} : memref<4096xf32, #tpu.memory_space<vmem>>, vector<16xf32>,
        %parallel_loop3A_567 = vector.broadcast %scan3A_112 : f32 to vector<16xf32>
        %parallel_loop3A_568 = arith.subf %parallel_loop3A_566, %parallel_loop3A_567 : vector<16xf32>
        %parallel_loop3A_569 = arith.index_cast %parallel_loop3A_564 : i32 to index
        %parallel_loop3A_570 = tpu.vector_load %arg7[%parallel_loop3A_569] {strides = array<i32>} : memref<4096xf32, #tpu.memory_space<vmem>>, vector<16xf32>,
        %parallel_loop3A_571 = vector.broadcast %scan3A_113 : f32 to vector<16xf32>
        %parallel_loop3A_572 = arith.subf %parallel_loop3A_570, %parallel_loop3A_571 : vector<16xf32>
        %parallel_loop3A_573 = arith.index_cast %parallel_loop3A_564 : i32 to index
        %parallel_loop3A_574 = tpu.vector_load %arg8[%parallel_loop3A_573] {strides = array<i32>} : memref<4096xf32, #tpu.memory_space<vmem>>, vector<16xf32>,
        %parallel_loop3A_575 = vector.broadcast %scan3A_114 : f32 to vector<16xf32>
        %parallel_loop3A_576 = arith.subf %parallel_loop3A_574, %parallel_loop3A_575 : vector<16xf32>
        %parallel_loop3A_577 = arith.mulf %parallel_loop3A_568, %parallel_loop3A_568 : vector<16xf32>
        %parallel_loop3A_578 = arith.mulf %parallel_loop3A_572, %parallel_loop3A_572 : vector<16xf32>
        %parallel_loop3A_579 = arith.addf %parallel_loop3A_577, %parallel_loop3A_578 : vector<16xf32>
        %parallel_loop3A_580 = arith.mulf %parallel_loop3A_576, %parallel_loop3A_576 : vector<16xf32>
        %parallel_loop3A_581 = arith.addf %parallel_loop3A_579, %parallel_loop3A_580 : vector<16xf32>
        %parallel_loop3A_582 = arith.index_cast %parallel_loop3A_564 : i32 to index
        %parallel_loop3A_583 = tpu.vector_load %arg9[%parallel_loop3A_582] {strides = array<i32>} : memref<4096xf32, #tpu.memory_space<vmem>>, vector<16xf32>,
        %parallel_loop3A_584 = arith.minimumf %parallel_loop3A_583, %parallel_loop3A_581 : vector<16xf32>
        %parallel_loop3A_585 = arith.index_cast %parallel_loop3A_564 : i32 to index
        %parallel_loop3A_586 = tpu.vector_load %arg9[%parallel_loop3A_585] {strides = array<i32>} : memref<4096xf32, #tpu.memory_space<vmem>>, vector<16xf32>,
        tpu.vector_store %arg9[%parallel_loop3A_585], %parallel_loop3A_584 {strides = array<i32>} : memref<4096xf32, #tpu.memory_space<vmem>>, vector<16xf32>,
        %parallel_loop3A_587 = arith.cmpf ogt, %parallel_loop3A_584, %parallel_loop3A_357 : vector<16xf32>
        %parallel_loop3A_588 = arith.select %parallel_loop3A_587, %parallel_loop3A_584, %parallel_loop3A_357 : vector<16xi1>, vector<16xf32>
        %parallel_loop3A_589 = vector.broadcast %parallel_loop3A_562 : i32 to vector<16xi32>
        %parallel_loop3A_590 = arith.select %parallel_loop3A_587, %parallel_loop3A_589, %parallel_loop3A_365 : vector<16xi1>, vector<16xi32>
        %parallel_loop3A_591 = arith.constant 8 : i32
        %parallel_loop3A_592 = arith.muli %parallel_loop3A_350, %parallel_loop3A_591 : i32
        %parallel_loop3A_593 = arith.constant 7 : i32
        %parallel_loop3A_594 = arith.addi %parallel_loop3A_592, %parallel_loop3A_593 : i32
        %parallel_loop3A_595 = arith.constant 16 : i32
        %parallel_loop3A_596 = arith.muli %parallel_loop3A_594, %parallel_loop3A_595 : i32
        %parallel_loop3A_597 = arith.index_cast %parallel_loop3A_596 : i32 to index
        %parallel_loop3A_598 = tpu.vector_load %arg6[%parallel_loop3A_597] {strides = array<i32>} : memref<4096xf32, #tpu.memory_space<vmem>>, vector<16xf32>,
        %parallel_loop3A_599 = vector.broadcast %scan3A_112 : f32 to vector<16xf32>
        %parallel_loop3A_600 = arith.subf %parallel_loop3A_598, %parallel_loop3A_599 : vector<16xf32>
        %parallel_loop3A_601 = arith.index_cast %parallel_loop3A_596 : i32 to index
        %parallel_loop3A_602 = tpu.vector_load %arg7[%parallel_loop3A_601] {strides = array<i32>} : memref<4096xf32, #tpu.memory_space<vmem>>, vector<16xf32>,
        %parallel_loop3A_603 = vector.broadcast %scan3A_113 : f32 to vector<16xf32>
        %parallel_loop3A_604 = arith.subf %parallel_loop3A_602, %parallel_loop3A_603 : vector<16xf32>
        %parallel_loop3A_605 = arith.index_cast %parallel_loop3A_596 : i32 to index
        %parallel_loop3A_606 = tpu.vector_load %arg8[%parallel_loop3A_605] {strides = array<i32>} : memref<4096xf32, #tpu.memory_space<vmem>>, vector<16xf32>,
        %parallel_loop3A_607 = vector.broadcast %scan3A_114 : f32 to vector<16xf32>
        %parallel_loop3A_608 = arith.subf %parallel_loop3A_606, %parallel_loop3A_607 : vector<16xf32>
        %parallel_loop3A_609 = arith.mulf %parallel_loop3A_600, %parallel_loop3A_600 : vector<16xf32>
        %parallel_loop3A_610 = arith.mulf %parallel_loop3A_604, %parallel_loop3A_604 : vector<16xf32>
        %parallel_loop3A_611 = arith.addf %parallel_loop3A_609, %parallel_loop3A_610 : vector<16xf32>
        %parallel_loop3A_612 = arith.mulf %parallel_loop3A_608, %parallel_loop3A_608 : vector<16xf32>
        %parallel_loop3A_613 = arith.addf %parallel_loop3A_611, %parallel_loop3A_612 : vector<16xf32>
        %parallel_loop3A_614 = arith.index_cast %parallel_loop3A_596 : i32 to index
        %parallel_loop3A_615 = tpu.vector_load %arg9[%parallel_loop3A_614] {strides = array<i32>} : memref<4096xf32, #tpu.memory_space<vmem>>, vector<16xf32>,
        %parallel_loop3A_616 = arith.minimumf %parallel_loop3A_615, %parallel_loop3A_613 : vector<16xf32>
        %parallel_loop3A_617 = arith.index_cast %parallel_loop3A_596 : i32 to index
        %parallel_loop3A_618 = tpu.vector_load %arg9[%parallel_loop3A_617] {strides = array<i32>} : memref<4096xf32, #tpu.memory_space<vmem>>, vector<16xf32>,
        tpu.vector_store %arg9[%parallel_loop3A_617], %parallel_loop3A_616 {strides = array<i32>} : memref<4096xf32, #tpu.memory_space<vmem>>, vector<16xf32>,
        %parallel_loop3A_619 = arith.cmpf ogt, %parallel_loop3A_616, %parallel_loop3A_358 : vector<16xf32>
        %parallel_loop3A_620 = arith.select %parallel_loop3A_619, %parallel_loop3A_616, %parallel_loop3A_358 : vector<16xi1>, vector<16xf32>
        %parallel_loop3A_621 = vector.broadcast %parallel_loop3A_594 : i32 to vector<16xi32>
        %parallel_loop3A_622 = arith.select %parallel_loop3A_619, %parallel_loop3A_621, %parallel_loop3A_366 : vector<16xi1>, vector<16xi32>
        scf.yield %parallel_loop3A_396, %parallel_loop3A_428, %parallel_loop3A_460, %parallel_loop3A_492, %parallel_loop3A_524, %parallel_loop3A_556, %parallel_loop3A_588, %parallel_loop3A_620, %parallel_loop3A_398, %parallel_loop3A_430, %parallel_loop3A_462, %parallel_loop3A_494, %parallel_loop3A_526, %parallel_loop3A_558, %parallel_loop3A_590, %parallel_loop3A_622 : vector<16xf32>, vector<16xf32>, vector<16xf32>, vector<16xf32>, vector<16xf32>, vector<16xf32>, vector<16xf32>, vector<16xf32>, vector<16xi32>, vector<16xi32>, vector<16xi32>, vector<16xi32>, vector<16xi32>, vector<16xi32>, vector<16xi32>, vector<16xi32>
      } {sc.loop_unroll_factor = 1 : i64, sc.parallel_access}
      %mul3A_150 = arith.constant 16 : i32
      %mul3A_151 = vector.broadcast %mul3A_150 : i32 to vector<16xi32>
      %mul3A_152 = arith.muli %parallel_loop3A_149#8, %mul3A_151 : vector<16xi32>
      %add3A_153 = arith.addi %mul3A_152, %iota3A : vector<16xi32>
      %mul3A_154 = arith.constant 16 : i32
      %mul3A_155 = vector.broadcast %mul3A_154 : i32 to vector<16xi32>
      %mul3A_156 = arith.muli %parallel_loop3A_149#9, %mul3A_155 : vector<16xi32>
      %add3A_157 = arith.addi %mul3A_156, %iota3A : vector<16xi32>
      %mul3A_158 = arith.constant 16 : i32
      %mul3A_159 = vector.broadcast %mul3A_158 : i32 to vector<16xi32>
      %mul3A_160 = arith.muli %parallel_loop3A_149#10, %mul3A_159 : vector<16xi32>
      %add3A_161 = arith.addi %mul3A_160, %iota3A : vector<16xi32>
      %mul3A_162 = arith.constant 16 : i32
      %mul3A_163 = vector.broadcast %mul3A_162 : i32 to vector<16xi32>
      %mul3A_164 = arith.muli %parallel_loop3A_149#11, %mul3A_163 : vector<16xi32>
      %add3A_165 = arith.addi %mul3A_164, %iota3A : vector<16xi32>
      %mul3A_166 = arith.constant 16 : i32
      %mul3A_167 = vector.broadcast %mul3A_166 : i32 to vector<16xi32>
      %mul3A_168 = arith.muli %parallel_loop3A_149#12, %mul3A_167 : vector<16xi32>
      %add3A_169 = arith.addi %mul3A_168, %iota3A : vector<16xi32>
      %mul3A_170 = arith.constant 16 : i32
      %mul3A_171 = vector.broadcast %mul3A_170 : i32 to vector<16xi32>
      %mul3A_172 = arith.muli %parallel_loop3A_149#13, %mul3A_171 : vector<16xi32>
      %add3A_173 = arith.addi %mul3A_172, %iota3A : vector<16xi32>
      %mul3A_174 = arith.constant 16 : i32
      %mul3A_175 = vector.broadcast %mul3A_174 : i32 to vector<16xi32>
      %mul3A_176 = arith.muli %parallel_loop3A_149#14, %mul3A_175 : vector<16xi32>
      %add3A_177 = arith.addi %mul3A_176, %iota3A : vector<16xi32>
      %mul3A_178 = arith.constant 16 : i32
      %mul3A_179 = vector.broadcast %mul3A_178 : i32 to vector<16xi32>
      %mul3A_180 = arith.muli %parallel_loop3A_149#15, %mul3A_179 : vector<16xi32>
      %add3A_181 = arith.addi %mul3A_180, %iota3A : vector<16xi32>
      %gt3A = arith.cmpf ogt, %parallel_loop3A_149#1, %parallel_loop3A_149#0 : vector<16xf32>
      %eq3A_182 = arith.cmpf oeq, %parallel_loop3A_149#1, %parallel_loop3A_149#0 : vector<16xf32>
      %lt3A = arith.cmpi slt, %add3A_157, %add3A_153 : vector<16xi32>
      %and3A = arith.andi %eq3A_182, %lt3A : vector<16xi1>
      %or3A = arith.ori %gt3A, %and3A : vector<16xi1>
      %select_n3A_183 = arith.select %or3A, %parallel_loop3A_149#1, %parallel_loop3A_149#0 : vector<16xi1>, vector<16xf32>
      %select_n3A_184 = arith.select %or3A, %add3A_157, %add3A_153 : vector<16xi1>, vector<16xi32>
      %gt3A_185 = arith.cmpf ogt, %parallel_loop3A_149#3, %parallel_loop3A_149#2 : vector<16xf32>
      %eq3A_186 = arith.cmpf oeq, %parallel_loop3A_149#3, %parallel_loop3A_149#2 : vector<16xf32>
      %lt3A_187 = arith.cmpi slt, %add3A_165, %add3A_161 : vector<16xi32>
      %and3A_188 = arith.andi %eq3A_186, %lt3A_187 : vector<16xi1>
      %or3A_189 = arith.ori %gt3A_185, %and3A_188 : vector<16xi1>
      %select_n3A_190 = arith.select %or3A_189, %parallel_loop3A_149#3, %parallel_loop3A_149#2 : vector<16xi1>, vector<16xf32>
      %select_n3A_191 = arith.select %or3A_189, %add3A_165, %add3A_161 : vector<16xi1>, vector<16xi32>
      %gt3A_192 = arith.cmpf ogt, %parallel_loop3A_149#5, %parallel_loop3A_149#4 : vector<16xf32>
      %eq3A_193 = arith.cmpf oeq, %parallel_loop3A_149#5, %parallel_loop3A_149#4 : vector<16xf32>
      %lt3A_194 = arith.cmpi slt, %add3A_173, %add3A_169 : vector<16xi32>
      %and3A_195 = arith.andi %eq3A_193, %lt3A_194 : vector<16xi1>
      %or3A_196 = arith.ori %gt3A_192, %and3A_195 : vector<16xi1>
      %select_n3A_197 = arith.select %or3A_196, %parallel_loop3A_149#5, %parallel_loop3A_149#4 : vector<16xi1>, vector<16xf32>
      %select_n3A_198 = arith.select %or3A_196, %add3A_173, %add3A_169 : vector<16xi1>, vector<16xi32>
      %gt3A_199 = arith.cmpf ogt, %parallel_loop3A_149#7, %parallel_loop3A_149#6 : vector<16xf32>
      %eq3A_200 = arith.cmpf oeq, %parallel_loop3A_149#7, %parallel_loop3A_149#6 : vector<16xf32>
      %lt3A_201 = arith.cmpi slt, %add3A_181, %add3A_177 : vector<16xi32>
      %and3A_202 = arith.andi %eq3A_200, %lt3A_201 : vector<16xi1>
      %or3A_203 = arith.ori %gt3A_199, %and3A_202 : vector<16xi1>
      %select_n3A_204 = arith.select %or3A_203, %parallel_loop3A_149#7, %parallel_loop3A_149#6 : vector<16xi1>, vector<16xf32>
      %select_n3A_205 = arith.select %or3A_203, %add3A_181, %add3A_177 : vector<16xi1>, vector<16xi32>
      %gt3A_206 = arith.cmpf ogt, %select_n3A_190, %select_n3A_183 : vector<16xf32>
      %eq3A_207 = arith.cmpf oeq, %select_n3A_190, %select_n3A_183 : vector<16xf32>
      %lt3A_208 = arith.cmpi slt, %select_n3A_191, %select_n3A_184 : vector<16xi32>
      %and3A_209 = arith.andi %eq3A_207, %lt3A_208 : vector<16xi1>
      %or3A_210 = arith.ori %gt3A_206, %and3A_209 : vector<16xi1>
      %select_n3A_211 = arith.select %or3A_210, %select_n3A_190, %select_n3A_183 : vector<16xi1>, vector<16xf32>
      %select_n3A_212 = arith.select %or3A_210, %select_n3A_191, %select_n3A_184 : vector<16xi1>, vector<16xi32>
      %gt3A_213 = arith.cmpf ogt, %select_n3A_204, %select_n3A_197 : vector<16xf32>
      %eq3A_214 = arith.cmpf oeq, %select_n3A_204, %select_n3A_197 : vector<16xf32>
      %lt3A_215 = arith.cmpi slt, %select_n3A_205, %select_n3A_198 : vector<16xi32>
      %and3A_216 = arith.andi %eq3A_214, %lt3A_215 : vector<16xi1>
      %or3A_217 = arith.ori %gt3A_213, %and3A_216 : vector<16xi1>
      %select_n3A_218 = arith.select %or3A_217, %select_n3A_204, %select_n3A_197 : vector<16xi1>, vector<16xf32>
      %select_n3A_219 = arith.select %or3A_217, %select_n3A_205, %select_n3A_198 : vector<16xi1>, vector<16xi32>
      %gt3A_220 = arith.cmpf ogt, %select_n3A_218, %select_n3A_211 : vector<16xf32>
      %eq3A_221 = arith.cmpf oeq, %select_n3A_218, %select_n3A_211 : vector<16xf32>
      %lt3A_222 = arith.cmpi slt, %select_n3A_219, %select_n3A_212 : vector<16xi32>
      %and3A_223 = arith.andi %eq3A_221, %lt3A_222 : vector<16xi1>
      %or3A_224 = arith.ori %gt3A_220, %and3A_223 : vector<16xi1>
      %select_n3A_225 = arith.select %or3A_224, %select_n3A_218, %select_n3A_211 : vector<16xi1>, vector<16xf32>
      %select_n3A_226 = arith.select %or3A_224, %select_n3A_219, %select_n3A_212 : vector<16xi1>, vector<16xi32>
      %reduce_max3A_227 = arith.constant true
      %reduce_max3A_228 = vector.broadcast %reduce_max3A_227 : i1 to vector<16xi1>
      %reduce_max3A_229 = tpu.scan <max>, %select_n3A_225 masked %reduce_max3A_228 : vector<16xf32>, vector<16xi1> -> vector<16xf32>
      %reduce_max3A_230 = vector.extract %reduce_max3A_229[15] : f32 from vector<16xf32>
      %eq3A_231 = vector.broadcast %reduce_max3A_230 : f32 to vector<16xf32>
      %eq3A_232 = arith.cmpf oeq, %select_n3A_225, %eq3A_231 : vector<16xf32>
      %jit3A_233 = arith.constant 2147483647 : i32
      %broadcast_in_dim3A_234 = vector.broadcast %jit3A_233 : i32 to vector<16xi32>
      %select_n3A_235 = arith.select %eq3A_232, %select_n3A_226, %broadcast_in_dim3A_234 : vector<16xi1>, vector<16xi32>
      %reduce_min3A_236 = arith.constant true
      %reduce_min3A_237 = vector.broadcast %reduce_min3A_236 : i1 to vector<16xi1>
      %reduce_min3A_238 = arith.constant -2147483648 : i32
      %reduce_min3A_239 = vector.broadcast %reduce_min3A_238 : i32 to vector<16xi32>
      %reduce_min3A_240 = arith.xori %select_n3A_235, %reduce_min3A_239 : vector<16xi32>
      %reduce_min3A_241 = tpu.scan <min>, %reduce_min3A_240 masked %reduce_min3A_237 : vector<16xi32>, vector<16xi1> -> vector<16xi32>
      %reduce_min3A_242 = arith.xori %reduce_min3A_241, %reduce_min3A_239 : vector<16xi32>
      %reduce_min3A_243 = vector.extract %reduce_min3A_242[15] : i32 from vector<16xi32>
      %and3A_244 = arith.constant 1 : i32
      %and3A_245 = arith.andi %scan3A_111, %and3A_244 : i32
      %add3A_246 = arith.addi %mul3A_0, %reduce_min3A_243 : i32
      %broadcast_in_dim3A_247 = vector.broadcast %reduce_min3A_243 : i32 to vector<16xi32>
      %gather3A_248 = tpu.vector_load_idx %arg6[%broadcast_in_dim3A_247] : memref<4096xf32, #tpu.memory_space<vmem>>[vector<16xi32>], vector<16xf32>,
      %slice3A_249 = vector.extract_strided_slice %gather3A_248 {offsets = [0], sizes = [1], strides = [1]} : vector<16xf32> to vector<1xf32>
      %squeeze3A_250 = vector.extract %slice3A_249[0] : f32 from vector<1xf32>
      %broadcast_in_dim3A_251 = vector.broadcast %reduce_min3A_243 : i32 to vector<16xi32>
      %gather3A_252 = tpu.vector_load_idx %arg7[%broadcast_in_dim3A_251] : memref<4096xf32, #tpu.memory_space<vmem>>[vector<16xi32>], vector<16xf32>,
      %slice3A_253 = vector.extract_strided_slice %gather3A_252 {offsets = [0], sizes = [1], strides = [1]} : vector<16xf32> to vector<1xf32>
      %squeeze3A_254 = vector.extract %slice3A_253[0] : f32 from vector<1xf32>
      %broadcast_in_dim3A_255 = vector.broadcast %reduce_min3A_243 : i32 to vector<16xi32>
      %gather3A_256 = tpu.vector_load_idx %arg8[%broadcast_in_dim3A_255] : memref<4096xf32, #tpu.memory_space<vmem>>[vector<16xi32>], vector<16xf32>,
      %slice3A_257 = vector.extract_strided_slice %gather3A_256 {offsets = [0], sizes = [1], strides = [1]} : vector<16xf32> to vector<1xf32>
      %squeeze3A_258 = vector.extract %slice3A_257[0] : f32 from vector<1xf32>
      %bitcast_convert_type3A_259 = arith.bitcast %add3A_246 : i32 to f32
      %eq3A_260 = arith.constant 0 : i32
      %eq3A_261 = vector.broadcast %eq3A_260 : i32 to vector<16xi32>
      %eq3A_262 = arith.cmpi eq, %iota3A, %eq3A_261 : vector<16xi32>
      %eq3A_263 = arith.constant 1 : i32
      %eq3A_264 = vector.broadcast %eq3A_263 : i32 to vector<16xi32>
      %eq3A_265 = arith.cmpi eq, %iota3A, %eq3A_264 : vector<16xi32>
      %eq3A_266 = arith.constant 2 : i32
      %eq3A_267 = vector.broadcast %eq3A_266 : i32 to vector<16xi32>
      %eq3A_268 = arith.cmpi eq, %iota3A, %eq3A_267 : vector<16xi32>
      %eq3A_269 = arith.constant 3 : i32
      %eq3A_270 = vector.broadcast %eq3A_269 : i32 to vector<16xi32>
      %eq3A_271 = arith.cmpi eq, %iota3A, %eq3A_270 : vector<16xi32>
      %eq3A_272 = arith.constant 4 : i32
      %eq3A_273 = vector.broadcast %eq3A_272 : i32 to vector<16xi32>
      %eq3A_274 = arith.cmpi eq, %iota3A, %eq3A_273 : vector<16xi32>
      %jit3A_275 = arith.constant 0.000000e+00 : f32
      %broadcast_in_dim3A_276 = vector.broadcast %squeeze3A_258 : f32 to vector<16xf32>
      %broadcast_in_dim3A_277 = vector.broadcast %jit3A_275 : f32 to vector<16xf32>
      %select_n3A_278 = arith.select %eq3A_274, %broadcast_in_dim3A_276, %broadcast_in_dim3A_277 : vector<16xi1>, vector<16xf32>
      %broadcast_in_dim3A_279 = vector.broadcast %squeeze3A_254 : f32 to vector<16xf32>
      %select_n3A_280 = arith.select %eq3A_271, %broadcast_in_dim3A_279, %select_n3A_278 : vector<16xi1>, vector<16xf32>
      %broadcast_in_dim3A_281 = vector.broadcast %squeeze3A_250 : f32 to vector<16xf32>
      %select_n3A_282 = arith.select %eq3A_268, %broadcast_in_dim3A_281, %select_n3A_280 : vector<16xi1>, vector<16xf32>
      %broadcast_in_dim3A_283 = vector.broadcast %bitcast_convert_type3A_259 : f32 to vector<16xf32>
      %select_n3A_284 = arith.select %eq3A_265, %broadcast_in_dim3A_283, %select_n3A_282 : vector<16xi1>, vector<16xf32>
      %broadcast_in_dim3A_285 = vector.broadcast %reduce_max3A_230 : f32 to vector<16xf32>
      %select_n3A_286 = arith.select %eq3A_262, %broadcast_in_dim3A_285, %select_n3A_284 : vector<16xi1>, vector<16xf32>
      %swap3A_287 = arith.constant 0 : index
      %swap3A_288 = tpu.vector_load %arg10[%swap3A_287] {strides = array<i32>} : memref<16xf32, #tpu.memory_space<vmem>>, vector<16xf32>,
      tpu.vector_store %arg10[%swap3A_287], %select_n3A_286 {strides = array<i32>} : memref<16xf32, #tpu.memory_space<vmem>>, vector<16xf32>,
      %mul3A_289 = arith.constant 16 : i32
      %mul3A_290 = arith.muli %and3A_245, %mul3A_289 : i32
      %add3A_291 = arith.addi %mul3A_290, %arg1 : i32
      %mul3A_292 = arith.constant 16 : i32
      %mul3A_293 = arith.muli %add3A_291, %mul3A_292 : i32
      "tpu.region"() ({
        %run_scoped3A = tpu.sem_alloc : memref<!tpu.dma_semaphore, #tpu.memory_space<semaphore_mem>>
        %dma_start3A = tpu.memref_slice %arg13[%mul3A_293] : memref<512xf32, #tpu.memory_space<vmem_shared>> -> memref<16xf32, #tpu.memory_space<vmem_shared>>
        %dma_start3A_350 = tpu.memref_slice %arg13[%mul3A_293] : memref<512xf32, #tpu.memory_space<vmem_shared>> -> memref<16xf32, #tpu.memory_space<vmem_shared>>
        tpu.enqueue_dma source(%arg10 : memref<16xf32, #tpu.memory_space<vmem>>) target(%dma_start3A_350 : memref<16xf32, #tpu.memory_space<vmem_shared>>) target_semaphore(%run_scoped3A : memref<!tpu.dma_semaphore, #tpu.memory_space<semaphore_mem>>)
        %dma_wait3A = tpu.memref_slice %arg13[%mul3A_293] : memref<512xf32, #tpu.memory_space<vmem_shared>> -> memref<16xf32, #tpu.memory_space<vmem_shared>>
        %dma_wait3A_351 = tpu.memref_slice %arg13[%mul3A_293] : memref<512xf32, #tpu.memory_space<vmem_shared>> -> memref<16xf32, #tpu.memory_space<vmem_shared>>
        tpu.wait_dma2 semaphore(%run_scoped3A : memref<!tpu.dma_semaphore, #tpu.memory_space<semaphore_mem>>) src(%arg10 : memref<16xf32, #tpu.memory_space<vmem>>) dst(%dma_wait3A_351 : memref<16xf32, #tpu.memory_space<vmem_shared>>)
        tpu.yield
      }) : () -> ()
      %barrier3A_294 = arith.constant 0 : index
      tpu.barrier barrier_id(%barrier3A_294)
      %mul3A_295 = arith.constant 256 : i32
      %mul3A_296 = arith.muli %and3A_245, %mul3A_295 : i32
      "tpu.region"() ({
        %run_scoped3A = tpu.sem_alloc : memref<!tpu.dma_semaphore, #tpu.memory_space<semaphore_mem>>
        %dma_start3A = tpu.memref_slice %arg13[%mul3A_296] : memref<512xf32, #tpu.memory_space<vmem_shared>> -> memref<256xf32, #tpu.memory_space<vmem_shared>>
        %dma_start3A_350 = tpu.memref_slice %arg13[%mul3A_296] : memref<512xf32, #tpu.memory_space<vmem_shared>> -> memref<256xf32, #tpu.memory_space<vmem_shared>>
        tpu.enqueue_dma source(%dma_start3A_350 : memref<256xf32, #tpu.memory_space<vmem_shared>>) target(%arg11 : memref<256xf32, #tpu.memory_space<vmem>>) target_semaphore(%run_scoped3A : memref<!tpu.dma_semaphore, #tpu.memory_space<semaphore_mem>>)
        %dma_wait3A = tpu.memref_slice %arg13[%mul3A_296] : memref<512xf32, #tpu.memory_space<vmem_shared>> -> memref<256xf32, #tpu.memory_space<vmem_shared>>
        %dma_wait3A_351 = tpu.memref_slice %arg13[%mul3A_296] : memref<512xf32, #tpu.memory_space<vmem_shared>> -> memref<256xf32, #tpu.memory_space<vmem_shared>>
        tpu.wait_dma2 semaphore(%run_scoped3A : memref<!tpu.dma_semaphore, #tpu.memory_space<semaphore_mem>>) src(%dma_wait3A_351 : memref<256xf32, #tpu.memory_space<vmem_shared>>) dst(%arg11 : memref<256xf32, #tpu.memory_space<vmem>>)
        tpu.yield
      }) : () -> ()
      %mul3A_297 = arith.constant 16 : i32
      %mul3A_298 = vector.broadcast %mul3A_297 : i32 to vector<16xi32>
      %mul3A_299 = arith.muli %iota3A, %mul3A_298 : vector<16xi32>
      %gather3A_300 = tpu.vector_load_idx %arg11[%mul3A_299] : memref<256xf32, #tpu.memory_space<vmem>>[vector<16xi32>], vector<16xf32>,
      %add3A_301 = arith.constant 1 : i32
      %add3A_302 = vector.broadcast %add3A_301 : i32 to vector<16xi32>
      %add3A_303 = arith.addi %mul3A_299, %add3A_302 : vector<16xi32>
      %gather3A_304 = tpu.vector_load_idx %arg11[%add3A_303] : memref<256xf32, #tpu.memory_space<vmem>>[vector<16xi32>], vector<16xf32>,
      %bitcast3A_305 = vector.bitcast %gather3A_304 : vector<16xf32> to vector<16xi32>
      %reduce_max3A_306 = arith.constant true
      %reduce_max3A_307 = vector.broadcast %reduce_max3A_306 : i1 to vector<16xi1>
      %reduce_max3A_308 = tpu.scan <max>, %gather3A_300 masked %reduce_max3A_307 : vector<16xf32>, vector<16xi1> -> vector<16xf32>
      %reduce_max3A_309 = vector.extract %reduce_max3A_308[15] : f32 from vector<16xf32>
      %eq3A_310 = vector.broadcast %reduce_max3A_309 : f32 to vector<16xf32>
      %eq3A_311 = arith.cmpf oeq, %gather3A_300, %eq3A_310 : vector<16xf32>
      %jit3A_312 = arith.constant 2147483647 : i32
      %broadcast_in_dim3A_313 = vector.broadcast %jit3A_312 : i32 to vector<16xi32>
      %select_n3A_314 = arith.select %eq3A_311, %bitcast3A_305, %broadcast_in_dim3A_313 : vector<16xi1>, vector<16xi32>
      %reduce_min3A_315 = arith.constant true
      %reduce_min3A_316 = vector.broadcast %reduce_min3A_315 : i1 to vector<16xi1>
      %reduce_min3A_317 = arith.constant -2147483648 : i32
      %reduce_min3A_318 = vector.broadcast %reduce_min3A_317 : i32 to vector<16xi32>
      %reduce_min3A_319 = arith.xori %select_n3A_314, %reduce_min3A_318 : vector<16xi32>
      %reduce_min3A_320 = tpu.scan <min>, %reduce_min3A_319 masked %reduce_min3A_316 : vector<16xi32>, vector<16xi1> -> vector<16xi32>
      %reduce_min3A_321 = arith.xori %reduce_min3A_320, %reduce_min3A_318 : vector<16xi32>
      %reduce_min3A_322 = vector.extract %reduce_min3A_321[15] : i32 from vector<16xi32>
      %shift_right_arithmetic3A_323 = arith.constant 12 : i32
      %shift_right_arithmetic3A_324 = arith.shrsi %reduce_min3A_322, %shift_right_arithmetic3A_323 : i32
      %mul3A_325 = arith.constant 16 : i32
      %mul3A_326 = arith.muli %shift_right_arithmetic3A_324, %mul3A_325 : i32
      %add3A_327 = arith.constant 2 : i32
      %add3A_328 = arith.addi %mul3A_326, %add3A_327 : i32
      %broadcast_in_dim3A_329 = vector.broadcast %add3A_328 : i32 to vector<16xi32>
      %gather3A_330 = tpu.vector_load_idx %arg11[%broadcast_in_dim3A_329] : memref<256xf32, #tpu.memory_space<vmem>>[vector<16xi32>], vector<16xf32>,
      %slice3A_331 = vector.extract_strided_slice %gather3A_330 {offsets = [0], sizes = [1], strides = [1]} : vector<16xf32> to vector<1xf32>
      %squeeze3A_332 = vector.extract %slice3A_331[0] : f32 from vector<1xf32>
      %add3A_333 = arith.constant 3 : i32
      %add3A_334 = arith.addi %mul3A_326, %add3A_333 : i32
      %broadcast_in_dim3A_335 = vector.broadcast %add3A_334 : i32 to vector<16xi32>
      %gather3A_336 = tpu.vector_load_idx %arg11[%broadcast_in_dim3A_335] : memref<256xf32, #tpu.memory_space<vmem>>[vector<16xi32>], vector<16xf32>,
      %slice3A_337 = vector.extract_strided_slice %gather3A_336 {offsets = [0], sizes = [1], strides = [1]} : vector<16xf32> to vector<1xf32>
      %squeeze3A_338 = vector.extract %slice3A_337[0] : f32 from vector<1xf32>
      %add3A_339 = arith.constant 4 : i32
      %add3A_340 = arith.addi %mul3A_326, %add3A_339 : i32
      %broadcast_in_dim3A_341 = vector.broadcast %add3A_340 : i32 to vector<16xi32>
      %gather3A_342 = tpu.vector_load_idx %arg11[%broadcast_in_dim3A_341] : memref<256xf32, #tpu.memory_space<vmem>>[vector<16xi32>], vector<16xf32>,
      %slice3A_343 = vector.extract_strided_slice %gather3A_342 {offsets = [0], sizes = [1], strides = [1]} : vector<16xf32> to vector<1xf32>
      %squeeze3A_344 = vector.extract %slice3A_343[0] : f32 from vector<1xf32>
      %broadcast_in_dim3A_345 = vector.broadcast %scan3A_111 : i32 to vector<16xi32>
      %broadcast_in_dim3A_346 = vector.broadcast %reduce_min3A_322 : i32 to vector<16xi32>
      %eq3A_347 = arith.constant 0 : i32
      %eq3A_348 = vector.broadcast %eq3A_347 : i32 to vector<16xi32>
      %eq3A_349 = arith.cmpi eq, %iota3A, %eq3A_348 : vector<16xi32>
      tpu.vector_store_idx %arg12[%broadcast_in_dim3A_345], %broadcast_in_dim3A_346 masked %eq3A_349 : memref<1024xi32, #tpu.memory_space<vmem>>[vector<16xi32>], vector<16xi32>, vector<16xi1>
      scf.yield %squeeze3A_332, %squeeze3A_338, %squeeze3A_344 : f32, f32, f32
    }
    %scan3A_107 = arith.constant 1023 : i32
    %eq3A_108 = arith.constant 0 : i32
    %eq3A_109 = arith.cmpi eq, %arg1, %eq3A_108 : i32
    %convert_element_type3A = arith.extui %eq3A_109 : i1 to i32
    %cond3A = arith.constant 0 : i32
    %cond3A_110 = arith.cmpi ne, %convert_element_type3A, %cond3A : i32
    scf.if %cond3A_110 {
      "tpu.region"() ({
        %run_scoped3A = tpu.sem_alloc : memref<!tpu.dma_semaphore, #tpu.memory_space<semaphore_mem>>
        tpu.enqueue_dma source(%arg12 : memref<1024xi32, #tpu.memory_space<vmem>>) target(%arg5 : memref<1024xi32, #tpu.memory_space<hbm>>) target_semaphore(%run_scoped3A : memref<!tpu.dma_semaphore, #tpu.memory_space<semaphore_mem>>)
        tpu.wait_dma2 semaphore(%run_scoped3A : memref<!tpu.dma_semaphore, #tpu.memory_space<semaphore_mem>>) src(%arg12 : memref<1024xi32, #tpu.memory_space<vmem>>) dst(%arg5 : memref<1024xi32, #tpu.memory_space<hbm>>)
        tpu.yield
      }) : () -> ()
    } else {
    }
    return
  }
}

</mosaic_0001>

<sc_bundles>
// kernel: kernel.3.cloned.1.call-start
scs
__scs_entry_jumppad:
0x0: {  	(pc) =	sbr.rel $0x88, $3  }
0x1: {  	(tag) =	ssettag $0x0;
	lr =	simm.s32 $0x1  }
0x2: {  	[smem:$0x3FA0] =	sst lr;
	_ =	strace $0xD0000000  }
0x3: {  	_ = 	snop  }
0x4: {  	_ = 	snop  }
0x5: {  	_ = 	snop  }
0x6: {  	_ = 	snop  }
0x7: {  	_ = 	snop  }
__scs_overlays_trampoline_lowered:
0x8: {  	[smem:$0x3FAF] =	sst s0  }
0x9: {  	[smem:$0x3FB0] =	sst s1  }
0xa: {  	[smem:$0x3FB1] =	sst s2  }
0xb: {  	[smem:$0x3FB2] =	sst s3  }
0xc: {  	[smem:$0x3FB3] =	sst s4  }
0xd: {  	[smem:$0x3FB4] =	sst s5  }
0xe: {  	[smem:$0x3FB5] =	sst s6  }
0xf: {  	[smem:$0x3FB6] =	sst s7  }
0x10: {  	[smem:$0x3FB7] =	sst s8  }
0x11: {  	[smem:$0x3FB8] =	sst s9;
	s0 =	simm.s32 @!p0 $0x0  }
0x12: {  	s1 =	sld [smem:$0x3F9E];
	s0 =	simm.s32 @p0 $0x1  }
0x13: {  	[smem:$0x3FB9] =	sst s0;
	s0 =	simm.s32 @!p1 $0x0  }
0x14: {  	s2 =	sld [smem:$0x3F9D];
	s0 =	simm.s32 @p1 $0x1  }
0x15: {  	[smem:$0x3FBA] =	sst s0;
	s0 =	simm.s32 @!p2 $0x0  }
0x16: {  	s3 =	sld [smem:$0x3FDB];
	s0 =	simm.s32 @p2 $0x1  }
0x17: {  	s4 =	simm.s32 $0x1BF5;
	[smem:$0x3FBC] =	sst s0  }
0x18: {  	s0 =	sld [smem:$0x3F9F];
	_ =	swait.ge [sflag:s4], $0x0  }
0x19: {  	s7 =	sld [smem:$0x3FA0]  }
0x1a: {  	s8 =	sadd.s32 $0xFFFFE003, lr  }
0x1b: {  	s9 =	sadd.s32 $0xFFFFFEF7, lr;
	s5 =	simm.s32 $0xFFFFFFFF;
	p2 =	slt.u32 s8, $0xFFFFF086  }
0x1c: {  	p1 =	slt.u32 s9, $0xF7A;
	s5 =	simm.s32 @!p2 $0x0  }
0x1d: {  	s5 =	simm.s32 @p1 $0x1;
	p0 =	seq.s32 s7, s2  }
0x1e: {  	s7 =	smul.u32 @!p0 $0xF7A, s2;
	p2 =	seq.s32 @!p0 s5, $0x0  }
0x1f: {  	s9 =	smul.u32 $0xF7A, s1;
	s8 =	simm.s32 @!p0 $0x1BF5;
	p2 =	por !p2, p0  }
0x20: {  	[sflag:s8] =	ssyncset.s32 @!p0 $0xFFFFF086;
	s6 =	sadd.s32 @!p0 s3, s7;
	s7 =	simm.s32 @!p0 $0x108  }
0x21: {  	s3 =	sadd.s32 s3, s9;
	s6 =	sadd.s32 @!p0 $0x88, s6;
	s7 =	simm.s32 @p2 $0x1082  }
0x22: {  	[simem:s7], [sflag:s8] =	dma.local @!p0 [hbm:s6], $0xF7A  }
0x23: {  	s9 =	sor.u32 $0xD0000000, s2;
	s6 =	simm.s32 $0x108;
	_ =	swait.ge @!p0 [sflag:s8], $0x0  }
0x24: {  	s3 =	sadd.s32 $0x88, s3;
	s6 =	simm.s32 @!p1 $0x1082;
	[sflag:s4] =	ssyncset.s32 $0xFFFFF086  }
0x25: {  	[simem:s6], [sflag:s4] =	dma.local [hbm:s3], $0xF7A  }
0x26: {  	[smem:$0x3FA0] =	sst s1;
	(tag) =	ssettag s2;
	_ =	strace s9  }
0x27: {  	s1 =	sld [smem:$0x3FB0]  }
0x28: {  	s2 =	sld [smem:$0x3FB1]  }
0x29: {  	s4 =	sld [smem:$0x3FB3]  }
0x2a: {  	p0 =	seq.s32 s5, $0x0;
	s5 =	sld [smem:$0x3FB4]  }
0x2b: {  	s6 =	sld [smem:$0x3FB5]  }
0x2c: {  	s7 =	sld [smem:$0x3FB6]  }
0x2d: {  	s3 =	simm.s32 $0x108;
	s8 =	sld [smem:$0x3FB7]  }
0x2e: {  	s3 =	simm.s32 @!p0 $0x1082;
	s9 =	sld [smem:$0x3FB8]  }
0x2f: {  	lr =	sadd.s32 s0, s3;
	s0 =	sld [smem:$0x3FAF]  }
0x30: {  	s3 =	sld [smem:$0x3FB2]  }
0x31: {  	[smem:$0x3FBB] =	sst s10  }
0x32: {  	s10 =	sld [smem:$0x3FB9];
	_ =	sdelay $0x3  }
0x33: {  	p0 =	seq.s32 s10, $0x1;
	s10 =	sld [smem:$0x3FBB];
	_ =	sdelay $0x3  }
0x34: {  	[smem:$0x3FBB] =	sst s10  }
0x35: {  	s10 =	sld [smem:$0x3FBA];
	_ =	sdelay $0x3  }
0x36: {  	p1 =	seq.s32 s10, $0x1;
	s10 =	sld [smem:$0x3FBB];
	_ =	sdelay $0x3  }
0x37: {  	[smem:$0x3FBB] =	sst s10  }
0x38: {  	s10 =	sld [smem:$0x3FBC]  }
0x39: {  	_ = 	snop;
	(pc) =	sbr.ind lr, $3  }
0x3a: {  	_ = 	snop  }
0x3b: {  	_ = 	snop  }
0x3c: {  	p2 =	seq.s32 s10, $0x1;
	s10 =	sld [smem:$0x3FBB]  }
0x3d: {  	_ =	shalt  }
0x3e: {  	_ =	shalt  }
0x3f: {  	_ =	shalt  }
0x40: {  	_ =	shalt  }
0x41: {  	_ =	shalt  }
0x42: {  	_ =	shalt  }
0x43: {  	_ =	shalt  }
0x44: {  	_ =	shalt  }
0x45: {  	_ =	shalt  }
0x46: {  	_ =	shalt  }
0x47: {  	_ =	shalt  }
0x48: {  	_ =	shalt  }
0x49: {  	_ =	shalt  }
0x4a: {  	_ =	shalt  }
0x4b: {  	_ =	shalt  }
0x4c: {  	_ =	shalt  }
0x4d: {  	_ =	shalt  }
0x4e: {  	_ =	shalt  }
0x4f: {  	_ =	shalt  }
0x50: {  	_ =	shalt  }
0x51: {  	_ =	shalt  }
0x52: {  	_ =	shalt  }
0x53: {  	_ =	shalt  }
0x54: {  	_ =	shalt  }
0x55: {  	_ =	shalt  }
0x56: {  	_ =	shalt  }
0x57: {  	_ =	shalt  }
0x58: {  	_ =	shalt  }
0x59: {  	_ =	shalt  }
0x5a: {  	_ =	shalt  }
0x5b: {  	_ =	shalt  }
0x5c: {  	_ =	shalt  }
0x5d: {  	_ =	shalt  }
0x5e: {  	_ =	shalt  }
0x5f: {  	_ =	shalt  }
0x60: {  	_ =	shalt  }
0x61: {  	_ =	shalt  }
0x62: {  	_ =	shalt  }
0x63: {  	_ =	shalt  }
0x64: {  	_ =	shalt  }
0x65: {  	_ =	shalt  }
0x66: {  	_ =	shalt  }
0x67: {  	_ =	shalt  }
0x68: {  	_ =	shalt  }
0x69: {  	_ =	shalt  }
0x6a: {  	_ =	shalt  }
0x6b: {  	_ =	shalt  }
0x6c: {  	_ =	shalt  }
0x6d: {  	_ =	shalt  }
0x6e: {  	_ =	shalt  }
0x6f: {  	_ =	shalt  }
0x70: {  	_ =	shalt  }
0x71: {  	_ =	shalt  }
0x72: {  	_ =	shalt  }
0x73: {  	_ =	shalt  }
0x74: {  	_ =	shalt  }
0x75: {  	_ =	shalt  }
0x76: {  	_ =	shalt  }
0x77: {  	_ =	shalt  }
0x78: {  	_ =	shalt  }
0x79: {  	_ =	shalt  }
0x7a: {  	_ =	shalt  }
0x7b: {  	_ =	shalt  }
0x7c: {  	_ =	shalt  }
0x7d: {  	_ =	shalt  }
0x7e: {  	_ =	shalt  }
0x7f: {  	_ =	shalt  }
0x80: {  	_ =	shalt  }
0x81: {  	_ =	shalt  }
0x82: {  	_ =	shalt  }
0x83: {  	_ =	shalt  }
0x84: {  	_ =	shalt  }
0x85: {  	_ =	shalt  }
0x86: {  	_ =	shalt  }
0x87: {  	_ =	shalt  }
.Lfunc_end0:
.L_simem_size_0:
called_computation_lowered:
.L_overlay_start_0:
0x88: {  	s0 =	sld [smem:$0x3FD9]  }
0x89: {  	s1 =	sld [smem:$0x3FFE];
	_ =	sdelay $0x3  }
0x8a: {  	s0 =	sadd.s32 s1, s0  }
0x8b: {  	[smem:$0x3FC7] =	sst s0  }
0x8c: {  	_ = 	snop  }
0x8d: {  	s0 =	sld [smem:$0x3FD0];
	(tm) =	ssettm $0x1  }
0x8e: {  	s16 =	sld [smem:$0x3FFB];
	_ =	sdelay $0x3  }
0x8f: {  	_ =	strace s16  }
0x90: {  	s1 =	sld [smem:$0x3FFC];
	_ =	sdelay $0x3  }
0x91: {  	_ =	strace s1  }
0x92: {  	s1 =	sld [smem:$0x3FFD];
	_ =	sdelay $0x3  }
0x93: {  	_ =	strace s1  }
0x94: {  	_ =	strace $0x8FFFFFFF  }
0x95: {  	s17 =	sld [smem:$0x3FDB];
	_ =	sdelay $0x1  }
0x96: {  	s2 =	simm.s32 $_scs_section_size  }
0x97: {  	s3 =	simm.s32 $_size__tile_overlayer_lowered;
	s4 =	simm.s32 $_tile_overlayer_lowered  }
0x98: {  	s20 =	simm.s32 $0x1BFF;
	s19 =	sshll.u32 s4, $0x1;
	s1 =	sadd.s32 s2, s17  }
0x99: {  	s5 =	simm.s32 $0x0;
	s18 =	sshll.u32 s3, $0x1;
	s3 =	sadd.s32 s19, s1  }
0x9a: {  	[timem:s5], [sflag:s20] =	dma.local [hbm:s3], s18  }
0x9b: {  	_ =	swait.ge [sflag:s20], s18  }
0x9c: {  	s2 =	ssub.s32 $0x0, s18;
	[sflag:s20] =	ssyncset.done $0x0  }
0x9d: {  	[sflag:s20] =	ssyncadd.s32 s2;
	_ =	sdelay $0x1  }
0x9e: {  	s21 =	simm.s32 $0x1B8B  }
0x9f: {  	_ =	swait.ge [sflag:s21], $0x1  }
0xa0: {  	[sflag:s21] =	ssyncset.done $0x0  }
0xa1: {  	s23 =	simm.s32 $0x1B8E;
	s22 =	sld [smem:$0x3FFE];
	[sflag:s21] =	ssyncadd.s32 $0xFFFFFFFF  }
0xa2: {  	s24 =	simm.s32 $execute0_lowered;
	[smem:$0x3FD2] =	sst s23  }
0xa3: {  	s3 =	sshll.u32 s24, $0x1;
	_ =	strace $0x80000046;
	[dreg:$0x1] =	wrdreg $0xFFFFFFFF  }
0xa4: {  	s25 =	simm.s32 $_size_execute0_lowered;
	s1 =	sadd.s32 s1, s3;
	[dreg:$0x0] =	wrdreg $0x0  }
0xa5: {  	s3 =	sshll.u32 s25, $0x1;
	[dreg:$0x2] =	wrdreg s1  }
0xa6: {  	[dreg:$0x3] =	wrdreg s3  }
0xa7: {  	[dreg:$0x4] =	wrdreg $0xC0  }
0xa8: {  	_ =	task [dreg:s5], $0x5FFFF  }
0xa9: {  	[dreg:$0x1] =	wrdreg $0xFFFFFFFF  }
0xaa: {  	[dreg:$0x0] =	wrdreg $0x60  }
0xab: {  	[dreg:$0x2] =	wrdreg s22  }
0xac: {  	[dreg:$0x3] =	wrdreg s0  }
0xad: {  	[dreg:$0x4] =	wrdreg $0x45800  }
0xae: {  	[dreg:$0x5] =	wrdreg $0x9  }
0xaf: {  	_ =	task.clear_ibuf [dreg:s5], $0x6FFFF;
	_ =	strace $0x90000046  }
0xb0: {  	s26 =	simm.s32 $0x9;
	_ =	strace $0x80000048  }
0xb1: {  	_ =	swait.ge [sflag:s26], $0x1  }
0xb2: {  	[sflag:s26] =	ssyncadd.s32 $0xFFFFFFFF  }
0xb3: {  	_ =	strace $0x90000048  }
0xb4: {  	_ =	sfence  }
0xb5: {  	s28 =	sld [smem:$0x0];
	_ =	sdelay $0x1  }
0xb6: {  	s29 =	srdreg.scid  }
0xb7: {  	s30 =	sshll.u32 s29, $0xD;
	s31 =	sshrl.u32 s29, $0x2  }
0xb8: {  	s2 =	sand.u32 $0x4000, s30;
	s1 =	sand.u32 $0x1, s29;
	s0 =	sadd.s32 s31, s28  }
0xb9: {  	s1 =	sor.u32 s2, s1;
	s0 =	sshll.u32 s0, $0x11  }
0xba: {  	s0 =	sor.u32 s0, s1  }
0xbb: {  	s0 =	sadd.s32 $0x8F2B, s0  }
0xbc: {  	[sflag:s0] =	ssyncadd.remote.s32 $0x1  }
0xbd: {  	_ =	sfence.sel $0xFFFF  }
0xbe: {  	[dreg:$0x0] =	wrdreg $0xFFFFFFFF;
	(pc) =	sbr.abs _section_cstart, $3  }
0xbf: {  	[dreg:$0x1] =	wrdreg $0xFFFFFFFF  }
0xc0: {  	_ =	task.clear_ibuf [dreg:s5], $0x2FFFF;
	_ =	strace $0x9FFFFFFF  }
0xc1: {  	(tm) =	ssettm $0x7FFFFFFF  }
tec
execute0_lowered:
.L_overlay_start_1:
0x0: {  	(tag) =	ssettag $0x1  }
0x1: {  	s5 =	stileid.u32  }
0x2: {  	s0 =	rddreg [dreg:$0x0];
	s1 =	simm.s32 $0x0;
	s2 =	sshll.u32 s5, $0x9  }
0x3: {  	[smem:$0x7FF] =	sst s1;
	s0 =	sadd.s32 s2, s0  }
0x4: {  	s30 =	simm.s32 $0x1;
	_ =	strace $0x80000047;
	s2 =	sadd.s32 $0x4600, s0  }
0x5: {  	[tilespmem:s1], [sflag:$0x1] =	stream.linear.gather [hbm4b:s2+s1], $0x1000, $0x38;
	[tilespmem:$0x45A0] =	vst v63  }
0x6: {  	_ =	swait.ge [sflag:s30], $0x1000  }
0x7: {  	[sflag:s30] =	ssyncset.done $0x0  }
0x8: {  	s4 =	simm.s32 $0x1000;
	s3 =	sadd.s32 $0x2600, s0;
	[sflag:s30] =	ssyncadd.s32 $0xFFFFF000  }
0x9: {  	[tilespmem:s4], [sflag:$0x1] =	stream.linear.gather [hbm4b:s3+s1], $0x1000, $0x38;
	[tilespmem:$0x45A0] =	vst v63  }
0xa: {  	_ =	swait.ge [sflag:s30], $0x1000  }
0xb: {  	[sflag:s30] =	ssyncset.done $0x0  }
0xc: {  	s31 =	simm.s32 $0x2000;
	s0 =	sadd.s32 $0x600, s0;
	[sflag:s30] =	ssyncadd.s32 $0xFFFFF000  }
0xd: {  	[tilespmem:s31], [sflag:$0x1] =	stream.linear.gather [hbm4b:s0+s1], $0x1000, $0x38;
	[tilespmem:$0x45A0] =	vst v63  }
0xe: {  	_ =	swait.ge [sflag:s30], $0x1000  }
0xf: {  	[sflag:s30] =	ssyncset.done $0x0  }
0x10: {  	v0 =	vimm.f32 $+Inf;
	s0 =	simm.s32 $0x40;
	s1 =	simm.s32 $0x0;
	[sflag:s30] =	ssyncadd.s32 $0xFFFFF000  }
.LBB2_1:
0x11: {  	p0 =	sne.s32 s0, $0x3FC0;
	[tilespmem:s1+$0x3000] =	vst v0;
	s1 =	smov.u32 s0;
	s0 =	sadd.s32 $0x40, s0  }
.Ltmp0:
0x12: {  	(pc) =	sbr.rel @p0 .LBB2_1-.Ltmp0, $2  }
0x13: {  	_ =	sdelay $0x2  }
0x14: {  	s1 =	sshra.s32 s1, $0x2  }
0x15: {  	[tilespmem:s1+$0x3000] =	vst v0;
	s0 =	simm.s32 $0x2000  }
0x16: {  	s23 =	simm.s32 $0x1000;
	v0 =	vld.msk [tilespmem:s0+$0x0], $0xffff  }
0x17: {  	s24 =	simm.s32 $0x0;
	v1 =	vld.msk [tilespmem:s23+$0x0], $0xffff  }
0x18: {  	v2 =	vld.msk [tilespmem:s24+$0x0], $0xffff;
	_ =	sdelay $0x2  }
0x19: {  	v0 =	vbroadcast v0, $0x0  }
0x1a: {  	vm0 =	vcmask $0x1310;
	v1 =	vbroadcast v1, $0x0  }
0x1b: {  	vm1 =	vcmask $0x3F10;
	v2 =	vbroadcast v2, $0x0;
	v0 =	vnsel vm0, $0x0, v0  }
0x1c: {  	p0 =	seq.s32 s5, $0x0;
	vm2 =	vcmask $0x3F0C;
	s0 =	simm.f32 $+Inf;
	v1 =	vsel vm1, v0, v1;
	v0 =	vlaneseq.u32  }
0x1d: {  	s0 =	simm.s32 @!p0 $0xFF800000;
	v1 =	vsel vm2, v1, v2;
	vm3 =	veq.s32 v0, $0x0  }
0x1e: {  	s25 =	sshll.u32 s5, $0x6;
	vm4 =	veq.s32 v0, $0x1;
	v1 =	vsel vm3, s0, v1  }
0x1f: {  	s26 =	rddreg [dreg:$0x2];
	s7 =	sshrl.u32 s25, $0x2;
	v1 =	vsel vm4, $0x0, v1  }
0x20: {  	s2 =	simm.s32 $0x4000;
	s9 =	simm.s32 $0x1;
	s28 =	sadd.s32 s7, s26;
	[tilespmem:$0x4000] =	vst v1  }
0x21: {  	[spmem:s28] =	stream.linear.scatter [tilespmem:s2], [sflag:$0x1], $0x10, $0x38;
	[tilespmem:$0x45A0] =	vst v63  }
0x22: {  	_ =	swait.ge [sflag:s9], $0x10  }
0x23: {  	[sflag:s9] =	ssyncset.done $0x0  }
0x24: {  	v1 =	vmul.u32 $0x10, v0;
	[sflag:s9] =	ssyncadd.s32 $0xFFFFFFF0  }
0x25: {  	s10 =	simm.s32 $0x4080;
	[bflag:$0x0] =	sbarrier.arrive $0xFFFF  }
0x26: {  	[tilespmem:s10], [sflag:$0x1] =	stream.linear.gather [spmem:s26], $0x100, $0x38;
	[tilespmem:$0x45A0] =	vst v63  }
0x27: {  	_ =	swait.ge [sflag:s9], $0x100  }
0x28: {  	[sflag:s9] =	ssyncset.done $0x0  }
0x29: {  	[sflag:s9] =	ssyncadd.s32 $0xFFFFFF00  }
0x2a: {  	v3 =	vld.idx.msk [tilespmem:v1+s10+$0x0], $0xffff;
	_ =	sdelay $0x3  }
0x2b: {  	v2 =	vor.u32 $0x1, v1  }
0x2c: {  	(xrf0) =	vmax.scan.msk.f32 $0xffff, v3;
	_ =	sdelay $0x3  }
0x2d: {  	v4 =	vld.idx.msk [tilespmem:v2+s10+$0x0], $0xffff;
	_ =	sdelay $0x1  }
0x2e: {  	v5, _, _ =	vpop (xrf0)  }
0x2f: {  	v5 =	vbroadcast v5, $0xF;
	_ =	sdelay $0x1  }
0x30: {  	vm3 =	veq.f32 v3, v5;
	v3 =	vxor.u32 $0x80000000, v4  }
0x31: {  	v3 =	vnsel vm3, $0xFFFFFFFF, v3  }
0x32: {  	(xrf0) =	vmin.scan.msk.u32 $0xffff, v3;
	_ =	sdelay $0x5  }
0x33: {  	v3, _, _ =	vpop (xrf0)  }
0x34: {  	(v2sf) =	vpush v3, $0xF;
	_ =	sdelay $0xe  }
0x35: {  	s29 =	spop (v2sf)  }
0x36: {  	s0 =	sshra.s32 s29, $0x8  }
0x37: {  	s0 =	sxor.u32 $0xFF800000, s0  }
0x38: {  	s30 =	sor.u32 $0x2, s0  }
0x39: {  	s31 =	sor.u32 $0x3, s0;
	v3 =	vmov s30  }
0x3a: {  	s0 =	sor.u32 $0x4, s0;
	v4 =	vmov s31;
	v3 =	vand.u32 $0xFFFFFFF2, v3  }
0x3b: {  	v5 =	vmov s0;
	v4 =	vand.u32 $0xFFFFFFF3, v4;
	v3 =	vbroadcast v3, $0x0  }
0x3c: {  	v5 =	vand.u32 $0xFFFFFFF4, v5;
	v4 =	vbroadcast v4, $0x0  }
0x3d: {  	v5 =	vbroadcast v5, $0x0;
	_ =	sdelay $0x3  }
0x3e: {  	v3 =	vld.idx.msk [tilespmem:v3+s10+$0x0], $0xffff  }
0x3f: {  	v4 =	vld.idx.msk [tilespmem:v4+s10+$0x0], $0xffff  }
0x40: {  	v5 =	vld.idx.msk [tilespmem:v5+s10+$0x0], $0xffff;
	_ =	sdelay $0x2  }
0x41: {  	(v2sf) =	vpush v3, $0x0  }
0x42: {  	(v2sf) =	vpush v4, $0x0  }
0x43: {  	(v2sf) =	vpush v5, $0x0;
	_ =	sdelay $0x9  }
0x44: {  	v3 =	vimm.s32 $0x0;
	_ =	sdelay $0x2  }
0x45: {  	s0 =	spop (v2sf)  }
0x46: {  	s3 =	simm.s32 $0x4180;
	s1 =	spop (v2sf)  }
0x47: {  	s12 =	sshll.u32 s5, $0xC;
	s13 =	simm.s32 $0x1;
	vm4 =	vcmask $0x3F04;
	vm3 =	vcmask $0x3F08;
	[tilespmem:v3+s3+$0x0] =	vst.idx.msk $0x1, v3;
	s2 =	spop (v2sf)  }
.LBB2_3:
0x48: {  	s25 =	simm.s32 $0x1040  }
0x49: {  	s24 =	simm.s32 $0x40;
	v4 =	vld [tilespmem:s25+$0xFFFFFFC0]  }
0x4a: {  	v7 =	vld [tilespmem:s24+$0xFFFFFFC0]  }
0x4b: {  	s22 =	simm.s32 $0x2040  }
0x4c: {  	v8 =	vld [tilespmem:s22+$0xFFFFFFC0];
	_ =	sdelay $0x1  }
0x4d: {  	v5 =	vmov s0;
	v6 =	vmov s1  }
0x4e: {  	v9 =	vsub.f32 v4, v6;
	v7 =	vsub.f32 v7, v5  }
0x4f: {  	v4 =	vmov s2  }
0x50: {  	s14 =	simm.s32 $0x3040;
	v8 =	vsub.f32 v8, v4;
	v7 =	vmul.f32 v7, v7;
	v9 =	vmul.f32 v9, v9  }
0x51: {  	v10 =	vld [tilespmem:s14+$0xFFFFFFC0]  }
0x52: {  	v8 =	vmul.f32 v8, v8;
	v7 =	vadd.f32 v9, v7;
	_ =	sdelay $0x1  }
0x53: {  	v7 =	vadd.f32 v8, v7;
	_ =	sdelay $0x1  }
0x54: {  	v8 =	vmin.f32 v10, v7  }
0x55: {  	[tilespmem:s14+$0xFFFFFFC0] =	vst v8  }
0x56: {  	v7 =	vld [tilespmem:s24+$0xFFFFFFD0]  }
0x57: {  	v9 =	vld [tilespmem:s25+$0xFFFFFFD0];
	_ =	sdelay $0x1  }
0x58: {  	v10 =	vld [tilespmem:s22+$0xFFFFFFD0];
	_ =	sdelay $0x2  }
0x59: {  	v7 =	vsub.f32 v7, v5;
	v9 =	vsub.f32 v9, v6;
	_ =	sdelay $0x1  }
0x5a: {  	v10 =	vsub.f32 v10, v4;
	v7 =	vmul.f32 v7, v7;
	v9 =	vmul.f32 v9, v9  }
0x5b: {  	v11 =	vld [tilespmem:s14+$0xFFFFFFD0]  }
0x5c: {  	s19 =	simm.s32 $0x10C0;
	v7 =	vadd.f32 v9, v7;
	v9 =	vmul.f32 v10, v10  }
0x5d: {  	s18 =	simm.s32 $0xC0;
	v10 =	vld [tilespmem:s19+$0xFFFFFFC0]  }
0x5e: {  	v7 =	vadd.f32 v9, v7;
	v9 =	vld [tilespmem:s18+$0xFFFFFFC0]  }
0x5f: {  	s17 =	simm.s32 $0x20C0  }
0x60: {  	v12 =	vld [tilespmem:s17+$0xFFFFFFC0];
	v11 =	vmin.f32 v11, v7  }
0x61: {  	[tilespmem:s14+$0xFFFFFFD0] =	vst v11  }
0x62: {  	v7 =	vld [tilespmem:s24+$0xFFFFFFE0]  }
0x63: {  	v10 =	vsub.f32 v10, v6;
	v13 =	vld [tilespmem:s25+$0xFFFFFFE0];
	v9 =	vsub.f32 v9, v5;
	_ =	sdelay $0x1  }
0x64: {  	s15 =	simm.s32 $0x30C0;
	v12 =	vsub.f32 v12, v4;
	v14 =	vld [tilespmem:s22+$0xFFFFFFE0];
	v10 =	vmul.f32 v10, v10;
	v9 =	vmul.f32 v9, v9  }
0x65: {  	v15 =	vld [tilespmem:s15+$0xFFFFFFC0]  }
0x66: {  	v12 =	vmul.f32 v12, v12;
	v9 =	vadd.f32 v10, v9  }
0x67: {  	v7 =	vsub.f32 v7, v5;
	v10 =	vsub.f32 v13, v6  }
0x68: {  	v9 =	vadd.f32 v12, v9  }
0x69: {  	v7 =	vmul.f32 v7, v7;
	v12 =	vsub.f32 v14, v4;
	v10 =	vmul.f32 v10, v10  }
0x6a: {  	v13 =	vld [tilespmem:s14+$0xFFFFFFE0];
	v9 =	vmin.f32 v15, v9  }
0x6b: {  	v7 =	vadd.f32 v10, v7;
	v10 =	vmul.f32 v12, v12;
	[tilespmem:s15+$0xFFFFFFC0] =	vst v9  }
0x6c: {  	v12 =	vld [tilespmem:s18+$0xFFFFFFD0]  }
0x6d: {  	v7 =	vadd.f32 v10, v7;
	v10 =	vld [tilespmem:s19+$0xFFFFFFD0];
	_ =	sdelay $0x1  }
0x6e: {  	v14 =	vld [tilespmem:s17+$0xFFFFFFD0];
	v13 =	vmin.f32 v13, v7  }
0x6f: {  	[tilespmem:s14+$0xFFFFFFE0] =	vst v13  }
0x70: {  	v7 =	vld [tilespmem:s24+$0xFFFFFFF0]  }
0x71: {  	v15 =	vld [tilespmem:s25+$0xFFFFFFF0];
	v12 =	vsub.f32 v12, v5;
	v10 =	vsub.f32 v10, v6;
	_ =	sdelay $0x1  }
0x72: {  	v16 =	vld [tilespmem:s22+$0xFFFFFFF0];
	v14 =	vsub.f32 v14, v4;
	v12 =	vmul.f32 v12, v12;
	v10 =	vmul.f32 v10, v10  }
0x73: {  	v17 =	vld [tilespmem:s15+$0xFFFFFFD0]  }
0x74: {  	v10 =	vadd.f32 v10, v12;
	v12 =	vmul.f32 v14, v14  }
0x75: {  	s23 =	simm.s32 $0x1140;
	v7 =	vsub.f32 v7, v5;
	v14 =	vsub.f32 v15, v6  }
0x76: {  	v18 =	vld [tilespmem:s23+$0xFFFFFFC0];
	v10 =	vadd.f32 v12, v10  }
0x77: {  	s20 =	simm.s32 $0x2140;
	v15 =	vld [tilespmem:s14+$0xFFFFFFF0];
	v7 =	vmul.f32 v7, v7;
	v12 =	vmul.f32 v14, v14;
	v14 =	vsub.f32 v16, v4  }
0x78: {  	s21 =	simm.s32 $0x140;
	v16 =	vld [tilespmem:s20+$0xFFFFFFC0];
	v10 =	vmin.f32 v17, v10  }
0x79: {  	v7 =	vadd.f32 v12, v7;
	v12 =	vmul.f32 v14, v14;
	v14 =	vld [tilespmem:s21+$0xFFFFFFC0];
	[tilespmem:s15+$0xFFFFFFD0] =	vst v10  }
0x7a: {  	v17 =	vld [tilespmem:s18+$0xFFFFFFE0]  }
0x7b: {  	v7 =	vadd.f32 v12, v7;
	v12 =	vld [tilespmem:s19+$0xFFFFFFE0];
	_ =	sdelay $0x1  }
0x7c: {  	v15 =	vmin.f32 v15, v7;
	v7 =	vld [tilespmem:s17+$0xFFFFFFE0]  }
0x7d: {  	s16 =	simm.s32 $0x3140;
	v18 =	vsub.f32 v18, v6;
	v14 =	vsub.f32 v14, v5  }
0x7e: {  	v21 =	vld [tilespmem:s16+$0xFFFFFFC0];
	v16 =	vsub.f32 v16, v4;
	[tilespmem:s14+$0xFFFFFFF0] =	vst v15;
	v17 =	vsub.f32 v17, v5  }
0x7f: {  	v18 =	vmul.f32 v18, v18;
	v19 =	vld [tilespmem:s25+$0x0];
	v14 =	vmul.f32 v14, v14;
	v12 =	vsub.f32 v12, v6  }
0x80: {  	v16 =	vmul.f32 v16, v16;
	v20 =	vld [tilespmem:s24+$0x0];
	v17 =	vmul.f32 v17, v17  }
0x81: {  	v22 =	vld [tilespmem:s22+$0x0];
	v14 =	vadd.f32 v18, v14;
	v7 =	vsub.f32 v7, v4;
	v12 =	vmul.f32 v12, v12  }
0x82: {  	v18 =	vld [tilespmem:s15+$0xFFFFFFE0]  }
0x83: {  	v14 =	vadd.f32 v16, v14;
	v12 =	vadd.f32 v12, v17;
	v7 =	vmul.f32 v7, v7  }
0x84: {  	v16 =	vsub.f32 v19, v6  }
0x85: {  	v17 =	vsub.f32 v20, v5;
	v14 =	vmin.f32 v21, v14;
	v7 =	vadd.f32 v7, v12  }
0x86: {  	v12 =	vmul.f32 v16, v16;
	v16 =	vld [tilespmem:s14+$0x0];
	[tilespmem:s16+$0xFFFFFFC0] =	vst v14  }
0x87: {  	v19 =	vsub.f32 v22, v4;
	v17 =	vmul.f32 v17, v17;
	v20 =	vld [tilespmem:s21+$0xFFFFFFD0];
	v18 =	vmin.f32 v18, v7  }
0x88: {  	v21 =	vld [tilespmem:s23+$0xFFFFFFD0];
	[tilespmem:s15+$0xFFFFFFE0] =	vst v18  }
0x89: {  	v12 =	vadd.f32 v12, v17;
	v17 =	vmul.f32 v19, v19;
	v19 =	vld [tilespmem:s18+$0xFFFFFFF0]  }
0x8a: {  	v7 =	vimm.f32 $-Inf;
	v22 =	vld [tilespmem:s19+$0xFFFFFFF0]  }
0x8b: {  	v23 =	vld [tilespmem:s20+$0xFFFFFFD0];
	vm5 =	vgt.f32 v8, v7;
	vm6 =	vgt.f32 v11, v7  }
0x8c: {  	s6 =	simm.s32 $0x0;
	vm7 =	vgt.f32 v13, v7;
	v8 =	vsel vm5, v8, v7;
	v12 =	vadd.f32 v17, v12  }
0x8d: {  	v17 =	vsel vm5, s6, v3;
	v24 =	vsel vm6, v11, v7;
	vm5 =	vgt.f32 v9, v8  }
0x8e: {  	v11 =	vld [tilespmem:s17+$0xFFFFFFF0];
	v12 =	vmin.f32 v16, v12;
	v16 =	vsub.f32 v20, v5;
	v20 =	vsub.f32 v21, v6  }
0x8f: {  	v27 =	vld [tilespmem:s16+$0xFFFFFFD0];
	v8 =	vsel vm5, v9, v8;
	[tilespmem:s14+$0x0] =	vst v12;
	v9 =	vsub.f32 v19, v5;
	v21 =	vsub.f32 v22, v6  }
0x90: {  	s8 =	simm.s32 $0x1;
	v19 =	vld [tilespmem:s25+$0x10];
	v22 =	vsub.f32 v23, v4;
	v16 =	vmul.f32 v16, v16;
	v20 =	vmul.f32 v20, v20  }
0x91: {  	v13 =	vsel vm7, v13, v7;
	v26 =	vsel vm6, s8, v3;
	vm6 =	vgt.f32 v15, v7;
	v23 =	vld [tilespmem:s24+$0x10]  }
0x92: {  	v29 =	vsel vm6, v15, v7;
	v28 =	vld [tilespmem:s22+$0x10];
	v16 =	vadd.f32 v20, v16;
	v20 =	vmul.f32 v22, v22  }
0x93: {  	s26 =	simm.s32 $0x8;
	s1 =	simm.s32 $0x3;
	v11 =	vsub.f32 v11, v4;
	v9 =	vmul.f32 v9, v9;
	v21 =	vmul.f32 v21, v21  }
0x94: {  	s28 =	simm.s32 $0x11C0;
	v15 =	vld [tilespmem:s15+$0xFFFFFFF0];
	v30 =	vsel vm6, s1, v3;
	v22 =	vsel vm5, s26, v17;
	v16 =	vadd.f32 v20, v16  }
0x95: {  	v31 =	vld [tilespmem:s28+$0xFFFFFFC0];
	v17 =	vmul.f32 v11, v11;
	v9 =	vadd.f32 v21, v9;
	v19 =	vsub.f32 v19, v6  }
0x96: {  	s29 =	simm.s32 $0x1C0;
	vm6 =	vgt.f32 v12, v7;
	v20 =	vld [tilespmem:s14+$0x10];
	v23 =	vsub.f32 v23, v5;
	v11 =	vmin.f32 v27, v16  }
0x97: {  	s26 =	simm.s32 $0x21C0;
	v9 =	vadd.f32 v17, v9;
	v16 =	vsub.f32 v28, v4;
	v17 =	vmul.f32 v19, v19;
	v19 =	vld [tilespmem:s29+$0xFFFFFFC0]  }
0x98: {  	v32 =	vsel vm6, v12, v7;
	vm5 =	vgt.f32 v10, v24;
	v21 =	vld [tilespmem:s26+$0xFFFFFFC0];
	[tilespmem:s16+$0xFFFFFFD0] =	vst v11;
	v23 =	vmul.f32 v23, v23  }
0x99: {  	s4 =	simm.s32 $0x9;
	v12 =	vld [tilespmem:s21+$0xFFFFFFE0];
	v27 =	vmin.f32 v15, v9;
	v16 =	vmul.f32 v16, v16;
	v9 =	vsel vm5, v10, v24  }
0x9a: {  	s11 =	simm.s32 $0x2;
	v28 =	vld [tilespmem:s23+$0xFFFFFFE0];
	v15 =	vsel vm5, s4, v26;
	vm5 =	vgt.f32 v14, v8;
	v23 =	vadd.f32 v17, v23  }
0x9b: {  	v25 =	vsel vm7, s11, v3;
	v24 =	vld [tilespmem:s20+$0xFFFFFFE0];
	[tilespmem:s15+$0xFFFFFFF0] =	vst v27;
	v8 =	vsel vm5, v14, v8;
	v14 =	vsub.f32 v31, v6  }
0x9c: {  	s5 =	simm.s32 $0x10;
	vm7 =	vgt.f32 v18, v13;
	v10 =	vld [tilespmem:s17+$0x0];
	v23 =	vadd.f32 v16, v23;
	v19 =	vsub.f32 v19, v5  }
0x9d: {  	v18 =	vsel vm7, v18, v13;
	v21 =	vsub.f32 v21, v4;
	v13 =	vld [tilespmem:s19+$0x0];
	v16 =	vsel vm5, s5, v22  }
0x9e: {  	s3 =	simm.s32 $0xA;
	s5 =	simm.s32 $0x31C0;
	v22 =	vld [tilespmem:s18+$0x0];
	v14 =	vmul.f32 v14, v14;
	v20 =	vmin.f32 v20, v23;
	v19 =	vmul.f32 v19, v19  }
0x9f: {  	s2 =	simm.s32 $0x4;
	v17 =	vsel vm7, s3, v25;
	v23 =	vld [tilespmem:s5+$0xFFFFFFC0];
	v12 =	vsub.f32 v12, v5;
	v25 =	vsub.f32 v28, v6;
	[tilespmem:s14+$0x10] =	vst v20  }
0xa0: {  	v33 =	vsel vm6, s2, v3;
	v21 =	vmul.f32 v21, v21;
	v26 =	vld [tilespmem:s24+$0x20];
	v14 =	vadd.f32 v14, v19  }
0xa1: {  	v28 =	vld [tilespmem:s25+$0x20];
	v12 =	vmul.f32 v12, v12;
	v19 =	vsub.f32 v24, v4;
	v24 =	vmul.f32 v25, v25  }
0xa2: {  	vm6 =	vgt.f32 v27, v29;
	v13 =	vsub.f32 v13, v6;
	v25 =	vld [tilespmem:s22+$0x20];
	v14 =	vadd.f32 v21, v14  }
0xa3: {  	v22 =	vsub.f32 v22, v5;
	v21 =	vld [tilespmem:s16+$0xFFFFFFE0];
	v12 =	vadd.f32 v24, v12;
	v24 =	vmul.f32 v19, v19  }
0xa4: {  	v10 =	vsub.f32 v10, v4;
	v13 =	vmul.f32 v13, v13;
	v19 =	vmin.f32 v23, v14  }
0xa5: {  	v14 =	vmul.f32 v22, v22;
	v22 =	vsub.f32 v26, v5;
	v12 =	vadd.f32 v24, v12;
	v24 =	vld [tilespmem:s15+$0x0];
	[tilespmem:s5+$0xFFFFFFC0] =	vst v19  }
0xa6: {  	vm5 =	vgt.f32 v11, v9;
	vm7 =	vgt.f32 v20, v7;
	v26 =	vsub.f32 v28, v6;
	v28 =	vld [tilespmem:s29+$0xFFFFFFD0]  }
0xa7: {  	v10 =	vmul.f32 v10, v10;
	v13 =	vadd.f32 v13, v14;
	v14 =	vmul.f32 v22, v22;
	v22 =	vld [tilespmem:s26+$0xFFFFFFD0]  }
0xa8: {  	s6 =	simm.s32 $0x5;
	v25 =	vsub.f32 v25, v4;
	v26 =	vmul.f32 v26, v26;
	v31 =	vld [tilespmem:s28+$0xFFFFFFD0];
	v34 =	vmin.f32 v21, v12  }
0xa9: {  	v23 =	vld [tilespmem:s14+$0x20];
	v21 =	vsel vm7, s6, v3;
	v12 =	vsel vm6, v27, v29;
	v10 =	vadd.f32 v10, v13  }
0xaa: {  	s8 =	simm.s32 $0xB;
	v27 =	vld [tilespmem:s5+$0xFFFFFFD0];
	[tilespmem:s16+$0xFFFFFFE0] =	vst v34;
	v13 =	vsel vm7, v20, v7;
	v14 =	vadd.f32 v26, v14;
	v26 =	vmul.f32 v25, v25  }
0xab: {  	vm7 =	vgt.f32 v34, v18;
	v20 =	vsel vm6, s8, v30;
	v36 =	vld [tilespmem:s21+$0xFFFFFFF0];
	v10 =	vmin.f32 v24, v10  }
0xac: {  	v25 =	vld [tilespmem:s14+$0x30];
	v26 =	vadd.f32 v26, v14;
	v24 =	vsub.f32 v28, v5;
	vm6 =	vgt.f32 v10, v32  }
0xad: {  	s11 =	simm.s32 $0xC;
	v29 =	vld [tilespmem:s23+$0xFFFFFFF0];
	v28 =	vsub.f32 v22, v4;
	v35 =	vsub.f32 v31, v6;
	v14 =	vsel vm6, v10, v32  }
0xae: {  	s0 =	simm.s32 $0x17;
	s31 =	simm.s32 $0x1F;
	s30 =	simm.s32 $0x31C0;
	[tilespmem:s15+$0x0] =	vst v10;
	v31 =	vld [tilespmem:s20+$0xFFFFFFF0];
	v22 =	vsel vm6, s11, v33;
	v26 =	vmin.f32 v23, v26;
	v10 =	vsel vm7, v34, v18  }
0xaf: {  	s1 =	simm.s32 $0xF;
	s2 =	simm.s32 $0x19;
	s4 =	simm.s32 $0x11;
	v30 =	vld [tilespmem:s17+$0x10];
	v23 =	vimm.s32 $0x0;
	v18 =	vimm.f32 $-Inf;
	v33 =	vmul.f32 v24, v24  }
0xb0: {  	s3 =	simm.s32 $0x7;
	s6 =	simm.s32 $0x27;
	s8 =	simm.s32 $0x12;
	v32 =	vld [tilespmem:s19+$0x10];
	vm6 =	vgt.f32 v26, v7;
	[tilespmem:s14+$0x20] =	vst v26;
	v24 =	vimm.s32 $0x0;
	v34 =	vsub.f32 v36, v5  }
.LBB2_4:
0xb1: {  	s11 =	sadd.s32 $0xFFFFFFFA, s6  }
0xb2: {  	p0 =	sne.s32 s6, $0xFF;
	v9 =	vsel vm5, v11, v9;
	v17 =	vsel vm7, s8, v17;
	v11 =	vsub.f32 v29, v6;
	v29 =	vld [tilespmem:s18+$0x10];
	s8 =	smov.u32 s6;
	s6 =	sadd.s32 $0x8, s6  }
0xb3: {  	v35 =	vmul.f32 v35, v35;
	v15 =	vsel vm5, s4, v15;
	s4 =	smov.u32 s2;
	v34 =	vmul.f32 v34, v34;
	v36 =	vld [tilespmem:s25+$0x30];
	s2 =	smov.u32 s11;
	s25 =	smov.u32 s19  }
0xb4: {  	vm5 =	vgt.f32 v19, v8;
	s19 =	smov.u32 s23;
	s23 =	smov.u32 s28;
	v11 =	vmul.f32 v11, v11;
	v30 =	vsub.f32 v30, v4;
	v37 =	vld [tilespmem:s24+$0x30];
	s24 =	smov.u32 s18  }
0xb5: {  	v28 =	vmul.f32 v28, v28;
	s11 =	sadd.s32 $0xFFFFFFF9, s31;
	v33 =	vadd.f32 v35, v33;
	s18 =	smov.u32 s21;
	s21 =	smov.u32 s29;
	v31 =	vsub.f32 v31, v4;
	v35 =	vld [tilespmem:s16+$0xFFFFFFF0]  }
0xb6: {  	v8 =	vsel vm5, v19, v8;
	v16 =	vsel vm5, s11, v16;
	v19 =	vsub.f32 v32, v6;
	v32 =	vld [tilespmem:s22+$0x30];
	s22 =	smov.u32 s17;
	s17 =	smov.u32 s20;
	s20 =	smov.u32 s26  }
0xb7: {  	v28 =	vadd.f32 v28, v33;
	s26 =	sadd.s32 $0x80, s26;
	v33 =	vadd.f32 v11, v34;
	v31 =	vmul.f32 v31, v31;
	v34 =	vld [tilespmem:s15+$0x10]  }
0xb8: {  	s28 =	sadd.s32 $0x80, s28;
	v29 =	vsub.f32 v29, v5;
	v38 =	vld [tilespmem:s26+$0xFFFFFFC0];
	v19 =	vmul.f32 v19, v19;
	v36 =	vsub.f32 v36, v6  }
0xb9: {  	s29 =	sadd.s32 $0x80, s29;
	v11 =	vmin.f32 v27, v28;
	v39 =	vld [tilespmem:s28+$0xFFFFFFC0];
	v27 =	vadd.f32 v31, v33;
	v28 =	vsub.f32 v37, v5  }
0xba: {  	vm5 =	vgt.f32 v11, v9;
	v29 =	vmul.f32 v29, v29;
	v31 =	vld [tilespmem:s29+$0xFFFFFFC0];
	[tilespmem:s5+$0xFFFFFFD0] =	vst v11;
	v33 =	vmul.f32 v36, v36  }
0xbb: {  	v36 =	vld [tilespmem:s21+$0xFFFFFFE0];
	v27 =	vmin.f32 v35, v27;
	v32 =	vsub.f32 v32, v4;
	v28 =	vmul.f32 v28, v28  }
0xbc: {  	v19 =	vadd.f32 v19, v29;
	v29 =	vmul.f32 v30, v30;
	v35 =	vld [tilespmem:s23+$0xFFFFFFE0];
	[tilespmem:s16+$0xFFFFFFF0] =	vst v27;
	vm8 =	vgt.f32 v27, v12  }
0xbd: {  	s11 =	sadd.s32 $0xFFFFFFFF, s3;
	v30 =	vsub.f32 v38, v4;
	v37 =	vld [tilespmem:s17+$0x0];
	v28 =	vadd.f32 v33, v28;
	v32 =	vmul.f32 v32, v32  }
0xbe: {  	v23 =	vsel vm6, s11, v23;
	v19 =	vadd.f32 v29, v19;
	v33 =	vsub.f32 v39, v6;
	v38 =	vld [tilespmem:s19+$0x0]  }
0xbf: {  	v7 =	vsel vm6, v26, v7;
	v29 =	vsub.f32 v31, v5;
	v31 =	vld [tilespmem:s20+$0xFFFFFFE0];
	v26 =	vadd.f32 v32, v28  }
0xc0: {  	s5 =	sadd.s32 $0x80, s5;
	v28 =	vmul.f32 v30, v30;
	v34 =	vmin.f32 v34, v19;
	v30 =	vsub.f32 v36, v5;
	v32 =	vld [tilespmem:s18+$0x0]  }
0xc1: {  	v19 =	vmul.f32 v29, v29;
	v29 =	vmul.f32 v33, v33;
	v33 =	vld [tilespmem:s5+$0xFFFFFFC0];
	[tilespmem:s15+$0x10] =	vst v34;
	v25 =	vmin.f32 v25, v26  }
0xc2: {  	v26 =	vsub.f32 v35, v6;
	v30 =	vmul.f32 v30, v30;
	v35 =	vld [tilespmem:s24+$0x20];
	[tilespmem:s14+$0x30] =	vst v25;
	vm6 =	vgt.f32 v25, v18;
	s14 =	smov.u32 s15;
	s15 =	smov.u32 s16;
	s16 =	smov.u32 s30  }
0xc3: {  	v19 =	vadd.f32 v29, v19;
	v29 =	vsub.f32 v38, v6;
	v36 =	vld [tilespmem:s25+$0x20];
	v24 =	vsel vm6, s3, v24;
	s3 =	smov.u32 s1;
	s1 =	smov.u32 s0;
	s0 =	smov.u32 s31  }
0xc4: {  	s30 =	smov.u32 s5;
	v26 =	vmul.f32 v26, v26;
	v18 =	vsel vm6, v25, v18;
	s31 =	smov.u32 s8;
	v31 =	vsub.f32 v31, v4;
	v38 =	vld [tilespmem:s22+$0x20]  }
0xc5: {  	v19 =	vadd.f32 v28, v19;
	v28 =	vld [tilespmem:s16+$0xFFFFFFE0];
	v32 =	vsub.f32 v32, v5;
	v29 =	vmul.f32 v29, v29  }
0xc6: {  	v26 =	vadd.f32 v26, v30;
	v30 =	vmul.f32 v31, v31;
	v31 =	vsub.f32 v37, v4;
	v25 =	vld [tilespmem:s14+$0x30]  }
0xc7: {  	v19 =	vmin.f32 v33, v19;
	v32 =	vmul.f32 v32, v32;
	v33 =	vsub.f32 v35, v5;
	v37 =	vld [tilespmem:s14+$0x20]  }
0xc8: {  	vm6 =	vgt.f32 v34, v13;
	[tilespmem:s5+$0xFFFFFFC0] =	vst v19;
	v26 =	vadd.f32 v30, v26;
	v30 =	vld [tilespmem:s15+$0x0];
	v35 =	vsub.f32 v36, v6  }
0xc9: {  	v31 =	vmul.f32 v31, v31;
	v36 =	vld [tilespmem:s29+$0xFFFFFFD0];
	v29 =	vadd.f32 v29, v32;
	v32 =	vmul.f32 v33, v33  }
0xca: {  	s8 =	sadd.s32 $0xFFFFFFFE, s3;
	v33 =	vld [tilespmem:s26+$0xFFFFFFD0];
	v39 =	vmin.f32 v28, v26;
	v26 =	vsub.f32 v38, v4;
	v28 =	vmul.f32 v35, v35  }
0xcb: {  	v13 =	vsel vm6, v34, v13;
	v21 =	vsel vm6, s8, v21;
	v35 =	vld [tilespmem:s28+$0xFFFFFFD0];
	[tilespmem:s16+$0xFFFFFFE0] =	vst v39;
	v31 =	vadd.f32 v31, v29  }
0xcc: {  	v12 =	vsel vm8, v27, v12;
	s8 =	sadd.s32 $0xFFFFFFFC, s1;
	v34 =	vld [tilespmem:s21+$0xFFFFFFF0];
	v28 =	vadd.f32 v28, v32;
	v26 =	vmul.f32 v26, v26  }
.Ltmp1:
0xcd: {  	v20 =	vsel vm8, s8, v20;
	vm7 =	vgt.f32 v39, v10;
	v29 =	vld [tilespmem:s23+$0xFFFFFFF0];
	v30 =	vmin.f32 v30, v31;
	(pc) =	sbr.rel @p0 .LBB2_4-.Ltmp1, $4  }
0xce: {  	s8 =	sadd.s32 $0xFFFFFFFD, s1;
	v31 =	vsub.f32 v36, v5;
	v27 =	vld [tilespmem:s5+$0xFFFFFFD0];
	[tilespmem:s15+$0x0] =	vst v30;
	vm6 =	vgt.f32 v30, v14;
	v26 =	vadd.f32 v26, v28  }
0xcf: {  	v28 =	vsub.f32 v33, v4;
	v14 =	vsel vm6, v30, v14;
	v22 =	vsel vm6, s8, v22;
	v30 =	vld [tilespmem:s17+$0x10]  }
0xd0: {  	v35 =	vsub.f32 v35, v6;
	v33 =	vmul.f32 v31, v31;
	v31 =	vld [tilespmem:s20+$0xFFFFFFF0];
	v26 =	vmin.f32 v37, v26  }
0xd1: {  	v10 =	vsel vm7, v39, v10;
	s8 =	sadd.s32 $0xFFFFFFFB, s0;
	v34 =	vsub.f32 v34, v5;
	v32 =	vld [tilespmem:s19+$0x10];
	[tilespmem:s14+$0x20] =	vst v26;
	vm6 =	vgt.f32 v26, v7  }
0xd2: {  	v35 =	vmul.f32 v35, v35;
	_ =	sdelay $0x1  }
0xd3: {  	v28 =	vmul.f32 v28, v28;
	v33 =	vadd.f32 v35, v33;
	_ =	sdelay $0x1  }
0xd4: {  	v28 =	vadd.f32 v28, v33;
	_ =	sdelay $0x1  }
0xd5: {  	v27 =	vmin.f32 v27, v28  }
0xd6: {  	[tilespmem:s5+$0xFFFFFFD0] =	vst v27  }
0xd7: {  	v48 =	vld [tilespmem:s29+$0xFFFFFFE0]  }
0xd8: {  	v49 =	vld [tilespmem:s28+$0xFFFFFFE0];
	_ =	sdelay $0x1  }
0xd9: {  	v50 =	vld [tilespmem:s26+$0xFFFFFFE0];
	_ =	sdelay $0x2  }
0xda: {  	v28 =	vsub.f32 v48, v5;
	v33 =	vsub.f32 v49, v6;
	_ =	sdelay $0x1  }
0xdb: {  	v35 =	vsub.f32 v50, v4;
	v28 =	vmul.f32 v28, v28;
	v33 =	vmul.f32 v33, v33  }
0xdc: {  	v36 =	vld [tilespmem:s30+$0xFFFFFFE0]  }
0xdd: {  	v51 =	vmul.f32 v35, v35;
	v28 =	vadd.f32 v33, v28;
	_ =	sdelay $0x1  }
0xde: {  	v28 =	vadd.f32 v51, v28;
	_ =	sdelay $0x1  }
0xdf: {  	v28 =	vmin.f32 v36, v28  }
0xe0: {  	[tilespmem:s30+$0xFFFFFFE0] =	vst v28  }
0xe1: {  	v52 =	vld [tilespmem:s29+$0xFFFFFFF0]  }
0xe2: {  	v29 =	vsub.f32 v29, v6;
	v53 =	vld [tilespmem:s28+$0xFFFFFFF0];
	_ =	sdelay $0x1  }
0xe3: {  	v34 =	vmul.f32 v34, v34;
	v29 =	vmul.f32 v29, v29;
	v31 =	vsub.f32 v31, v4;
	v54 =	vld [tilespmem:s26+$0xFFFFFFF0]  }
0xe4: {  	v37 =	vld [tilespmem:s16+$0xFFFFFFF0]  }
0xe5: {  	v29 =	vadd.f32 v29, v34;
	v31 =	vmul.f32 v31, v31  }
0xe6: {  	v33 =	vsub.f32 v52, v5;
	v55 =	vsub.f32 v53, v6  }
0xe7: {  	v29 =	vadd.f32 v31, v29  }
0xe8: {  	v56 =	vsub.f32 v54, v4;
	v33 =	vmul.f32 v33, v33;
	v34 =	vmul.f32 v55, v55  }
0xe9: {  	v57 =	vld [tilespmem:s30+$0xFFFFFFF0];
	v31 =	vmin.f32 v37, v29  }
0xea: {  	[tilespmem:s16+$0xFFFFFFF0] =	vst v31;
	v58 =	vmul.f32 v56, v56;
	v33 =	vadd.f32 v34, v33  }
0xeb: {  	v59 =	vld [tilespmem:s23+$0x0]  }
0xec: {  	v60 =	vld [tilespmem:s21+$0x0];
	v33 =	vadd.f32 v58, v33;
	_ =	sdelay $0x1  }
0xed: {  	v61 =	vld [tilespmem:s20+$0x0];
	v29 =	vmin.f32 v57, v33  }
0xee: {  	v38 =	vld [tilespmem:s18+$0x10];
	[tilespmem:s30+$0xFFFFFFF0] =	vst v29  }
0xef: {  	v62 =	vld [tilespmem:s28+$0x0]  }
0xf0: {  	v35 =	vsub.f32 v59, v6;
	v36 =	vsub.f32 v60, v5;
	v63 =	vld [tilespmem:s29+$0x0];
	_ =	sdelay $0x1  }
0xf1: {  	v35 =	vmul.f32 v35, v35;
	v36 =	vmul.f32 v36, v36;
	v34 =	vsub.f32 v61, v4;
	v39 =	vld [tilespmem:s26+$0x0]  }
0xf2: {  	v40 =	vld [tilespmem:s16+$0x0];
	v30 =	vsub.f32 v30, v4;
	v32 =	vsub.f32 v32, v6  }
0xf3: {  	v42 =	vsub.f32 v38, v5;
	v35 =	vadd.f32 v35, v36;
	v34 =	vmul.f32 v34, v34  }
0xf4: {  	v33 =	vsub.f32 v62, v6;
	v41 =	vsub.f32 v63, v5  }
0xf5: {  	v44 =	vmul.f32 v32, v32;
	v37 =	vmul.f32 v42, v42;
	v34 =	vadd.f32 v34, v35  }
0xf6: {  	v46 =	vld [tilespmem:s15+$0x10];
	v43 =	vsub.f32 v39, v4;
	v33 =	vmul.f32 v33, v33;
	v36 =	vmul.f32 v41, v41  }
0xf7: {  	v30 =	vmul.f32 v30, v30;
	v45 =	vld [tilespmem:s30+$0x0];
	v37 =	vadd.f32 v44, v37;
	v32 =	vmin.f32 v40, v34  }
0xf8: {  	[tilespmem:s16+$0x0] =	vst v32;
	v35 =	vmul.f32 v43, v43;
	v33 =	vadd.f32 v33, v36  }
0xf9: {  	v37 =	vadd.f32 v30, v37;
	v47 =	vld [tilespmem:s23+$0x10]  }
0xfa: {  	v48 =	vld [tilespmem:s21+$0x10];
	v33 =	vadd.f32 v35, v33  }
0xfb: {  	v49 =	vld [tilespmem:s25+$0x30];
	v34 =	vmin.f32 v46, v37  }
0xfc: {  	[tilespmem:s15+$0x10] =	vst v34;
	v50 =	vld [tilespmem:s20+$0x10];
	v30 =	vmin.f32 v45, v33  }
0xfd: {  	v44 =	vld [tilespmem:s19+$0x20];
	[tilespmem:s30+$0x0] =	vst v30  }
0xfe: {  	v17 =	vsel vm7, s8, v17;
	vm7 =	vgt.f32 v19, v8;
	v52 =	vld [tilespmem:s28+$0x10]  }
0xff: {  	s8 =	sadd.s32 $0xFFFFFFF9, s31;
	v9 =	vsel vm5, v11, v9;
	v38 =	vsub.f32 v48, v5;
	v36 =	vsub.f32 v47, v6;
	v53 =	vld [tilespmem:s29+$0x10]  }
0x100: {  	v7 =	vsel vm6, v26, v7;
	v16 =	vsel vm7, s8, v16;
	vm9 =	vgt.f32 v31, v12;
	v51 =	vld [tilespmem:s24+$0x30]  }
0x101: {  	s11 =	sadd.s32 $0xFFFFFFFF, s3;
	v40 =	vsub.f32 v50, v4;
	v38 =	vmul.f32 v38, v38;
	v36 =	vmul.f32 v36, v36;
	v42 =	vld [tilespmem:s26+$0x10]  }
0x102: {  	v23 =	vsel vm6, s11, v23;
	v12 =	vsel vm9, v31, v12;
	vm6 =	vgt.f32 v28, v10;
	v41 =	vld [tilespmem:s18+$0x20]  }
0x103: {  	s25 =	sadd.s32 $0xFFFFFFFB, s31;
	v43 =	vld [tilespmem:s16+$0x10];
	v58 =	vsub.f32 v44, v6;
	v54 =	vmul.f32 v40, v40;
	v36 =	vadd.f32 v36, v38  }
0x104: {  	v17 =	vsel vm6, s25, v17;
	v37 =	vsub.f32 v52, v6;
	v39 =	vsub.f32 v53, v5  }
0x105: {  	v17 =	vshll.u32 v17, $0x4;
	v35 =	vsub.f32 v49, v6;
	v45 =	vld [tilespmem:s17+$0x20];
	v36 =	vadd.f32 v54, v36  }
0x106: {  	v55 =	vld [tilespmem:s22+$0x30];
	v56 =	vsub.f32 v42, v4;
	v37 =	vmul.f32 v37, v37;
	v39 =	vmul.f32 v39, v39  }
0x107: {  	v57 =	vld [tilespmem:s30+$0x10];
	v41 =	vsub.f32 v41, v5;
	v33 =	vsub.f32 v51, v5;
	v35 =	vmul.f32 v35, v35  }
0x108: {  	s22 =	sadd.s32 $0xFFFFFFFC, s0;
	v36 =	vmin.f32 v43, v36;
	v38 =	vmul.f32 v56, v56;
	v37 =	vadd.f32 v37, v39  }
0x109: {  	v20 =	vsel vm9, s22, v20;
	v49 =	vld [tilespmem:s15+$0x20];
	v60 =	vmul.f32 v41, v41;
	v33 =	vmul.f32 v33, v33;
	[tilespmem:s16+$0x10] =	vst v36  }
0x10a: {  	v43 =	vmul.f32 v58, v58;
	v62 =	vsub.f32 v45, v4;
	v61 =	vld [tilespmem:s21+$0x20];
	v37 =	vadd.f32 v38, v37  }
0x10b: {  	v59 =	vsub.f32 v55, v4;
	vm9 =	vgt.f32 v29, v12;
	v35 =	vadd.f32 v35, v33;
	v63 =	vld [tilespmem:s23+$0x20]  }
0x10c: {  	s6 =	sadd.s32 $0xFFFFFFFC, s31;
	v40 =	vadd.f32 v43, v60;
	v50 =	vmul.f32 v62, v62;
	v33 =	vmin.f32 v57, v37  }
0x10d: {  	s24 =	sadd.s32 $0xFFFFFFFD, s0;
	v20 =	vsel vm9, s6, v20;
	vm10 =	vgt.f32 v32, v14;
	v48 =	vmul.f32 v59, v59;
	v51 =	vld [tilespmem:s20+$0x20];
	[tilespmem:s30+$0x10] =	vst v33  }
0x10e: {  	vm11 =	vgt.f32 v34, v13;
	v22 =	vsel vm10, s24, v22;
	v52 =	vadd.f32 v50, v40;
	v53 =	vld [tilespmem:s29+$0x20]  }
0x10f: {  	v13 =	vsel vm11, v34, v13;
	v14 =	vsel vm10, v32, v14;
	v35 =	vadd.f32 v48, v35;
	v56 =	vld [tilespmem:s28+$0x20]  }
0x110: {  	v54 =	vsub.f32 v61, v5;
	v55 =	vsub.f32 v63, v6;
	v38 =	vmin.f32 v49, v52  }
0x111: {  	vm12 =	vgt.f32 v38, v7;
	v37 =	vsel vm5, s4, v15;
	v15 =	vmin.f32 v25, v35;
	v58 =	vld [tilespmem:s26+$0x20]  }
0x112: {  	v59 =	vld [tilespmem:s16+$0x20];
	[tilespmem:s15+$0x20] =	vst v38;
	v25 =	vmul.f32 v54, v54;
	v57 =	vsub.f32 v51, v4;
	v35 =	vmul.f32 v55, v55  }
0x113: {  	v60 =	vld [tilespmem:s19+$0x30];
	s19 =	sadd.s32 $0xFFFFFFFE, s1;
	vm5 =	vgt.f32 v27, v9;
	v7 =	vsel vm12, v38, v7;
	vm8 =	vgt.f32 v15, v18  }
0x114: {  	v62 =	vld [tilespmem:s18+$0x30];
	v21 =	vsel vm11, s19, v21;
	v40 =	vsub.f32 v53, v5;
	v41 =	vsub.f32 v56, v6  }
0x115: {  	v37 =	vsel vm5, s2, v37;
	v25 =	vadd.f32 v35, v25;
	v61 =	vmul.f32 v57, v57  }
0x116: {  	v46 =	vld [tilespmem:s17+$0x30];
	s4 =	sadd.s32 $0xFFFFFFFF, s1;
	v43 =	vsub.f32 v58, v4;
	v40 =	vmul.f32 v40, v40;
	v41 =	vmul.f32 v41, v41  }
0x117: {  	v63 =	vld [tilespmem:s30+$0x20];
	v23 =	vsel vm12, s4, v23;
	vm11 =	vgt.f32 v36, v13;
	v25 =	vadd.f32 v61, v25  }
0x118: {  	v9 =	vsel vm5, v27, v9;
	v49 =	vmul.f32 v43, v43;
	v48 =	vadd.f32 v41, v40  }
0x119: {  	s5 =	sadd.s32 $0xFFFFFFFE, s0;
	v51 =	vsub.f32 v60, v6;
	v39 =	vsub.f32 v62, v5;
	v25 =	vmin.f32 v59, v25  }
0x11a: {  	v42 =	vld [tilespmem:s15+$0x30];
	v24 =	vsel vm8, s3, v24;
	v21 =	vsel vm11, s5, v21;
	[tilespmem:s16+$0x20] =	vst v25;
	v11 =	vadd.f32 v49, v48  }
0x11b: {  	v26 =	vmul.f32 v51, v51;
	v53 =	vsub.f32 v46, v4;
	v39 =	vmul.f32 v39, v39;
	v50 =	vld [tilespmem:s23+$0x30]  }
0x11c: {  	v13 =	vsel vm11, v36, v13;
	v18 =	vsel vm8, v15, v18;
	v52 =	vld [tilespmem:s21+$0x30];
	v11 =	vmin.f32 v63, v11  }
0x11d: {  	s17 =	sadd.s32 $0xFFFFFFFE, s31;
	vm11 =	vgt.f32 v33, v13;
	v55 =	vld [tilespmem:s20+$0x30];
	v26 =	vadd.f32 v26, v39;
	v57 =	vmul.f32 v53, v53;
	[tilespmem:s30+$0x20] =	vst v11  }
0x11e: {  	v47 =	vshll.u32 v37, $0x4;
	v21 =	vsel vm11, s17, v21;
	v13 =	vsel vm11, v33, v13;
	v56 =	vld [tilespmem:s28+$0x30]  }
0x11f: {  	s11 =	sadd.s32 $0xFFFFFFFF, s0;
	vm15 =	vgt.f32 v25, v7;
	v46 =	vshll.u32 v16, $0x4;
	v26 =	vadd.f32 v57, v26;
	v58 =	vld [tilespmem:s29+$0x30]  }
0x120: {  	v7 =	vsel vm15, v25, v7;
	v23 =	vsel vm15, s11, v23;
	v43 =	vsel vm9, v29, v12  }
0x121: {  	v59 =	vsub.f32 v50, v6;
	v60 =	vsub.f32 v52, v5;
	v26 =	vmin.f32 v42, v26;
	v63 =	vld [tilespmem:s26+$0x30]  }
0x122: {  	v36 =	vsub.f32 v55, v4;
	v42 =	vsel vm6, v28, v10;
	v48 =	vshll.u32 v20, $0x4  }
0x123: {  	vm6 =	vlt.s32 v47, v46;
	v61 =	vmul.f32 v59, v59;
	v62 =	vmul.f32 v60, v60  }
0x124: {  	v50 =	vshll.u32 v21, $0x4;
	v38 =	vsub.f32 v56, v6;
	v5 =	vsub.f32 v58, v5  }
0x125: {  	v35 =	vld [tilespmem:s16+$0x30];
	vm8 =	vgt.f32 v26, v18;
	v32 =	vmul.f32 v36, v36;
	v31 =	vadd.f32 v61, v62  }
0x126: {  	v4 =	vsub.f32 v63, v4;
	v6 =	vmul.f32 v38, v38;
	v5 =	vmul.f32 v5, v5  }
0x127: {  	v54 =	vld [tilespmem:s30+$0x30];
	v24 =	vsel vm8, s1, v24;
	v18 =	vsel vm8, v26, v18;
	vm8 =	vgt.f32 v30, v14  }
0x128: {  	s8 =	sadd.s32 $0xFFFFFFFD, s31;
	v31 =	vadd.f32 v32, v31;
	v4 =	vmul.f32 v4, v4;
	v5 =	vadd.f32 v6, v5  }
0x129: {  	s18 =	sadd.s32 $0xFFFFFFFF, s31;
	v22 =	vsel vm8, s8, v22;
	vm12 =	vgt.f32 v11, v7;
	v14 =	vsel vm8, v30, v14  }
0x12a: {  	v23 =	vsel vm12, s18, v23;
	v40 =	vmin.f32 v35, v31;
	v4 =	vadd.f32 v4, v5  }
0x12b: {  	v7 =	vsel vm12, v11, v7;
	v49 =	vshll.u32 v22, $0x4;
	vm10 =	vgt.f32 v40, v18  }
0x12c: {  	v51 =	vshll.u32 v23, $0x4;
	v44 =	vsel vm10, v40, v18;
	v4 =	vmin.f32 v54, v4  }
0x12d: {  	v41 =	vsel vm10, s0, v24;
	v5 =	vsel vm7, v19, v8;
	vm5 =	vgt.f32 v4, v44  }
0x12e: {  	v6 =	vsel vm5, s31, v41;
	v45 =	vsel vm5, v4, v44;
	vm5 =	veq.f32 v9, v5  }
0x12f: {  	vm12 =	vlt.s32 v50, v49;
	vm7 =	vgt.f32 v9, v5;
	vm5 =	vmand vm5, vm6  }
0x130: {  	v6 =	vshll.u32 v6, $0x4;
	vm6 =	veq.f32 v43, v42;
	vm5 =	vmor vm7, vm5  }
0x131: {  	vm7 =	vlt.s32 v48, v17;
	v5 =	vsel vm5, v9, v5;
	v52 =	vsel vm5, v47, v46  }
0x132: {  	vm5 =	vgt.f32 v43, v42;
	vm6 =	vmand vm6, vm7;
	vm7 =	veq.f32 v13, v14  }
0x133: {  	vm5 =	vmor vm5, vm6;
	vm6 =	vgt.f32 v13, v14;
	vm7 =	vmand vm7, vm12  }
0x134: {  	vm14 =	vgt.f32 v45, v7;
	vm13 =	vlt.s32 v6, v51;
	vm6 =	vmor vm6, vm7  }
0x135: {  	vm7 =	veq.f32 v45, v7;
	v8 =	vsel vm5, v43, v42;
	v53 =	vsel vm5, v48, v17  }
0x136: {  	vm7 =	vmand vm7, vm13;
	v54 =	vsel vm6, v13, v14;
	v55 =	vsel vm6, v50, v49  }
0x137: {  	vm6 =	veq.f32 v8, v5;
	vm5 =	vmor vm14, vm7;
	vm7 =	vlt.s32 v53, v52  }
0x138: {  	v7 =	vsel vm5, v45, v7;
	v6 =	vsel vm5, v6, v51;
	vm5 =	vgt.f32 v8, v5  }
0x139: {  	vm6 =	vmand vm6, vm7;
	vm7 =	veq.f32 v7, v54;
	vm15 =	vlt.s32 v6, v55  }
0x13a: {  	vm5 =	vmor vm5, vm6;
	vm6 =	vmand vm7, vm15;
	vm7 =	vgt.f32 v7, v54  }
0x13b: {  	v5 =	vsel vm5, v8, v5;
	vm6 =	vmor vm7, vm6  }
0x13c: {  	v56 =	vsel vm5, v53, v52;
	v7 =	vsel vm6, v7, v54;
	v6 =	vsel vm6, v6, v55  }
0x13d: {  	vm5 =	veq.f32 v7, v5;
	vm6 =	vlt.s32 v6, v56  }
0x13e: {  	vm7 =	vgt.f32 v7, v5;
	vm5 =	vmand vm5, vm6  }
0x13f: {  	vm5 =	vmor vm7, vm5  }
0x140: {  	v5 =	vsel vm5, v7, v5  }
0x141: {  	(xrf0) =	vmax.scan.msk.f32 $0xffff, v5;
	_ =	sdelay $0x5  }
0x142: {  	v57, _, _ =	vpop (xrf0)  }
0x143: {  	v7 =	vbroadcast v57, $0xF  }
0x144: {  	v58 =	vor.u32 $0x80000000, v0;
	v6 =	vsel vm5, v6, v56  }
0x145: {  	vm5 =	veq.f32 v5, v7;
	v5 =	vxor.u32 v58, v6  }
0x146: {  	v5 =	vnsel vm5, $0xFFFFFFFF, v5  }
0x147: {  	(xrf0) =	vmin.scan.msk.u32 $0xffff, v5;
	_ =	sdelay $0x5  }
0x148: {  	v5, _, _ =	vpop (xrf0)  }
0x149: {  	(v2sf) =	vpush v5, $0xF;
	_ =	sdelay $0xe  }
0x14a: {  	s19 =	spop (v2sf)  }
0x14b: {  	s0 =	sxor.u32 $0x80000000, s19  }
0x14c: {  	v5 =	vmov s0  }
0x14d: {  	[tilespmem:s14+$0x30] =	vst v15  }
0x14e: {  	[tilespmem:s15+$0x30] =	vst v26  }
0x14f: {  	[tilespmem:s16+$0x30] =	vst v40  }
0x150: {  	s20 =	simm.s32 $0x2000;
	[tilespmem:s30+$0x30] =	vst v4  }
0x151: {  	s21 =	simm.s32 $0x1000;
	v4 =	vld.idx.msk [tilespmem:v5+s20+$0x0], $0xffff  }
0x152: {  	s22 =	simm.s32 $0x0;
	v59 =	vld.idx.msk [tilespmem:v5+s21+$0x0], $0xffff  }
0x153: {  	v5 =	vld.idx.msk [tilespmem:v5+s22+$0x0], $0xffff;
	_ =	sdelay $0x2  }
0x154: {  	v4 =	vbroadcast v4, $0x0  }
0x155: {  	s0 =	sadd.s32 s12, s0;
	v6 =	vbroadcast v59, $0x0  }
0x156: {  	v60 =	vmov s0;
	v5 =	vbroadcast v5, $0x0;
	v4 =	vnsel vm0, $0x0, v4  }
0x157: {  	v61 =	vbroadcast v60, $0x0;
	v4 =	vsel vm1, v4, v6  }
0x158: {  	s23 =	sshll.u32 s13, $0x8;
	v4 =	vsel vm2, v4, v5  }
0x159: {  	s24 =	rddreg [dreg:$0x2];
	s0 =	sand.u32 $0x100, s23;
	v4 =	vsel vm3, v4, v61  }
0x15a: {  	s0 =	sadd.s32 s0, s24;
	v4 =	vsel vm4, v4, v7  }
0x15b: {  	s25 =	simm.s32 $0x4000;
	s1 =	sadd.s32 s7, s0;
	[tilespmem:$0x4000] =	vst v4  }
0x15c: {  	[spmem:s1] =	stream.linear.scatter [tilespmem:s25], [sflag:$0x1], $0x10, $0x38;
	[tilespmem:$0x45A0] =	vst v63  }
0x15d: {  	_ =	swait.ge [sflag:s9], $0x10  }
0x15e: {  	[sflag:s9] =	ssyncset.done $0x0  }
0x15f: {  	[sflag:s9] =	ssyncadd.s32 $0xFFFFFFF0  }
0x160: {  	[bflag:$0x0] =	sbarrier.arrive $0xFFFF  }
0x161: {  	[tilespmem:s10], [sflag:$0x1] =	stream.linear.gather [spmem:s0], $0x100, $0x38;
	[tilespmem:$0x45A0] =	vst v63  }
0x162: {  	_ =	swait.ge [sflag:s9], $0x100  }
0x163: {  	[sflag:s9] =	ssyncset.done $0x0  }
0x164: {  	[sflag:s9] =	ssyncadd.s32 $0xFFFFFF00  }
0x165: {  	v4 =	vld.idx.msk [tilespmem:v1+s10+$0x0], $0xffff;
	_ =	sdelay $0x4  }
0x166: {  	(xrf0) =	vmax.scan.msk.f32 $0xffff, v4;
	_ =	sdelay $0x3  }
0x167: {  	v5 =	vld.idx.msk [tilespmem:v2+s10+$0x0], $0xffff;
	_ =	sdelay $0x1  }
0x168: {  	v62, _, _ =	vpop (xrf0)  }
0x169: {  	v6 =	vbroadcast v62, $0xF;
	_ =	sdelay $0x1  }
0x16a: {  	vm5 =	veq.f32 v4, v6;
	v4 =	vxor.u32 $0x80000000, v5  }
0x16b: {  	v4 =	vnsel vm5, $0xFFFFFFFF, v4  }
0x16c: {  	(xrf0) =	vmin.scan.msk.u32 $0xffff, v4;
	_ =	sdelay $0x5  }
0x16d: {  	v4, _, _ =	vpop (xrf0)  }
0x16e: {  	(v2sf) =	vpush v4, $0xF;
	_ =	sdelay $0xe  }
0x16f: {  	s26 =	spop (v2sf)  }
0x170: {  	s28 =	sxor.u32 $0x80000000, s26  }
0x171: {  	s0 =	sshra.s32 s28, $0x8  }
0x172: {  	s29 =	sor.u32 $0x2, s0  }
0x173: {  	s30 =	sor.u32 $0x3, s0;
	v4 =	vmov s29  }
0x174: {  	s0 =	sor.u32 $0x4, s0;
	v5 =	vmov s30;
	v4 =	vand.u32 $0xFFFFFFF2, v4  }
0x175: {  	v63 =	vmov s0;
	v5 =	vand.u32 $0xFFFFFFF3, v5;
	v4 =	vbroadcast v4, $0x0  }
0x176: {  	v6 =	vand.u32 $0xFFFFFFF4, v63;
	v5 =	vbroadcast v5, $0x0  }
0x177: {  	v6 =	vbroadcast v6, $0x0;
	_ =	sdelay $0x3  }
0x178: {  	v4 =	vld.idx.msk [tilespmem:v4+s10+$0x0], $0xffff  }
0x179: {  	v5 =	vld.idx.msk [tilespmem:v5+s10+$0x0], $0xffff  }
0x17a: {  	v6 =	vld.idx.msk [tilespmem:v6+s10+$0x0], $0xffff;
	_ =	sdelay $0x2  }
0x17b: {  	(v2sf) =	vpush v4, $0x0  }
0x17c: {  	(v2sf) =	vpush v5, $0x0  }
0x17d: {  	(v2sf) =	vpush v6, $0x0;
	_ =	sdelay $0x8  }
0x17e: {  	v4 =	vmov s13;
	s13 =	sadd.s32 $0x1, s13  }
0x17f: {  	p0 =	sne.s32 s13, $0x400  }
.Ltmp2:
0x180: {  	_ = 	snop;
	(pc) =	sbr.rel @p0 .LBB2_3-.Ltmp2, $4  }
0x181: {  	_ = 	snop  }
0x182: {  	s0 =	spop (v2sf)  }
0x183: {  	s31 =	simm.s32 $0x4180;
	v5 =	vmov s28;
	s1 =	spop (v2sf)  }
0x184: {  	[tilespmem:v4+s31+$0x0] =	vst.idx.msk $0x1, v5;
	s2 =	spop (v2sf)  }
0x185: {  	s0 =	stileid.u32  }
0x186: {  	p0 =	sne.s32 s0, $0x0  }
0x187: {  	_ =	sfence.sel @p0 $0x180000  }
0x188: {  	[bflag:$0x0] =	sbarrier.arrive @p0 $0xFFFF  }
0x189: {  	_ =	strace @p0 $0x90000047  }
0x18a: {  	[bflag:$0x2] =	sbarrier.arrive @p0 $0xFFFF  }
0x18b: {  	s0 =	simm.s32 @!p0 $0x0;
	s1 =	simm.s32 @!p0 $0x4180;
	s2 =	rddreg [dreg:$0x1]  }
0x18c: {  	[hbm4b:s2+s0] =	stream.linear.scatter @!p0 [tilespmem:s1], [sflag:$0x1], $0x400, $0x38;
	[tilespmem:$0x45A0] =	vst v63  }
0x18d: {  	s0 =	simm.s32 @!p0 $0x1  }
0x18e: {  	_ =	swait.ge @!p0 [sflag:s0], $0x400  }
0x18f: {  	[sflag:s0] =	ssyncset.done @!p0 $0x0  }
0x190: {  	[sflag:s0] =	ssyncadd.s32 @!p0 $0xFFFFFC00  }
0x191: {  	_ =	sfence.sel @!p0 $0x180000  }
0x192: {  	[bflag:$0x0] =	sbarrier.arrive @!p0 $0xFFFF  }
0x193: {  	_ =	strace @!p0 $0x90000047  }
0x194: {  	[bflag:$0x2] =	sbarrier.arrive @!p0 $0xFFFF  }
0x195: {  	s0 =	rddreg [dreg:$0x3]  }
0x196: {  	s0 =	sadd.s32 @!p0 $0x100000, s0  }
0x197: {  	[sflag:s0] =	ssyncadd.tile.s32 @!p0 $0x1;
	_ =	shalt  }
.Lfunc_end2:
_tile_overlayer_lowered:
.L_overlay_start_2:
0x198: {  	(tag) =	ssettag $0x2  }
0x199: {  	s0 =	rddreg [dreg:$0x0];
	s2 =	stileid.u32  }
0x19a: {  	s1 =	rddreg [dreg:$0x1];
	p0 =	sne.s32 s2, $0x0  }
0x19b: {  	s3 =	rddreg [dreg:$0x2];
	[bflag:$0x3] =	sbarrier.arrive $0xFFFF;
	s2 =	simm.s32 @!p0 $0x1C01  }
0x19c: {  	[timem:s3], [sflag:s2] =	dma.local @!p0 [hbm:s0], s1  }
0x19d: {  	s0 =	simm.s32 @!p0 $0x1  }
0x19e: {  	_ =	swait.ge @!p0 [sflag:s0], s1  }
0x19f: {  	s1 =	ssub.s32 @!p0 $0x0, s1;
	[sflag:s0] =	ssyncset.done @!p0 $0x0  }
0x1a0: {  	[sflag:s0] =	ssyncadd.s32 @!p0 s1  }
0x1a1: {  	[bflag:$0x3] =	sbarrier.arrive $0xFFFF  }
0x1a2: {  	_ =	shalt  }

</sc_bundles>
